<compile_context>
chip_gen: v7x
topology: tpu7x:2x2x1
jax: 0.10.2.dev20260603
libtpu: 0.0.44.dev20260713+nightly
codegen_flags: <defaults>
</compile_context>

<pallas_src>
import functools

import jax
import jax.numpy as jnp
from jax import lax
from jax.experimental import pallas as pl
from jax.experimental.pallas import tpu as pltpu
from jax.experimental.pallas import tpu_sc as plsc

N = 10000
E = 320000
D = 128
NC = 2
NS = 16
NW = NC * NS
K = 128
NP = 10240
EP = NW * 80 * K
CPW = EP // (NW * K)
ES = EP // K
RPS = NP // NS

_sc_mesh = plsc.VectorSubcoreMesh(core_axis_name="c", subcore_axis_name="s")


def _deg_body(dst_hbm, out_hbm, dsta, onesv, deg_sh, ss):
    c = lax.axis_index("c")
    s = lax.axis_index("s")
    wid = s * NC + c
    r0 = s * RPS

    for j in range(K // 16):
        onesv[pl.ds(16 * j, 16)] = jnp.zeros((16,), jnp.float32)
    for t in range(RPS // K):
        pltpu.sync_copy(onesv, deg_sh.at[pl.ds(r0 + t * K, K)])
    for j in range(K // 16):
        onesv[pl.ds(16 * j, 16)] = jnp.full((16,), 1.0, jnp.float32)
    pltpu.sync_copy(dst_hbm.at[pl.ds(wid * CPW, CPW)], dsta)
    plsc.subcore_barrier()

    def body(j, carry):
        pltpu.async_copy(onesv, deg_sh.at[dsta.at[j]], ss, add=True)

        @pl.when(j > 0)
        def _():
            pltpu.make_async_copy(onesv, deg_sh.at[dsta.at[0]], ss).wait()

        return carry

    lax.fori_loop(0, CPW, body, 0)
    pltpu.make_async_copy(onesv, deg_sh.at[dsta.at[0]], ss).wait()
    plsc.subcore_barrier()
    pltpu.sync_copy(deg_sh.at[pl.ds(r0, RPS)],
                    out_hbm.at[pl.ds(c * NP + r0, RPS)])


_deg_call = functools.partial(
    pl.kernel,
    out_type=jax.ShapeDtypeStruct((NC * NP,), jnp.float32),
    mesh=_sc_mesh,
    scratch_types=[
        pltpu.VMEM((CPW, K), jnp.int32),
        pltpu.VMEM((K,), jnp.float32),
        pltpu.VMEM_SHARED((NP,), jnp.float32),
        pltpu.SemaphoreType.DMA,
    ],
)(_deg_body)


def _agg_body(table_hbm, src_hbm, dst_hbm, out_hbm, srcv, dstv, rows,
              acc_sh, isr, ids, gs, ss):
    c = lax.axis_index("c")
    s = lax.axis_index("s")
    wid = s * NC + c
    r0 = s * RPS
    base0 = wid * CPW * K

    def isrc_start(j, a):
        pltpu.async_copy(src_hbm.at[pl.ds(base0 + j * K, K)], srcv[a], isr[a])

    def isrc_wait(a):
        pltpu.make_async_copy(src_hbm.at[pl.ds(0, K)], srcv[a], isr[a]).wait()

    def idst_start(j, a):
        pltpu.async_copy(dst_hbm.at[pl.ds(base0 + j * K, K)], dstv[a], ids[a])

    def idst_wait(a):
        pltpu.make_async_copy(dst_hbm.at[pl.ds(0, K)], dstv[a], ids[a]).wait()

    def g_start(a):
        pltpu.async_copy(table_hbm.at[srcv[a]], rows[a], gs[a])

    def g_wait(a):
        pltpu.make_async_copy(table_hbm.at[srcv[a]], rows[a], gs[a]).wait()

    def s_start(a):
        pltpu.async_copy(rows[a], acc_sh.at[dstv[a]], ss[a], add=True)

    def s_wait(a):
        pltpu.make_async_copy(rows[a], acc_sh.at[dstv[a]], ss[a]).wait()

    isrc_start(0, 0)
    idst_start(0, 0)
    isrc_start(1, 1)
    pltpu.sync_copy(table_hbm.at[pl.ds(r0, RPS)], acc_sh.at[pl.ds(r0, RPS)])
    isrc_wait(0)
    g_start(0)
    plsc.subcore_barrier()

    def body(t, carry):
        j0 = 2 * t
        more = t + 1 < CPW // 2
        g_wait(0)
        idst_wait(0)
        s_start(0)

        @pl.when(t > 0)
        def _():
            s_wait(1)

        idst_start(j0 + 1, 1)
        isrc_wait(1)
        g_start(1)

        @pl.when(more)
        def _():
            isrc_start(j0 + 2, 0)

        g_wait(1)
        idst_wait(1)
        s_start(1)
        s_wait(0)

        @pl.when(more)
        def _():
            idst_start(j0 + 2, 0)
            isrc_wait(0)
            g_start(0)
            isrc_start(j0 + 3, 1)

        return carry

    lax.fori_loop(0, CPW // 2, body, 0)
    s_wait(1)
    plsc.subcore_barrier()
    pltpu.sync_copy(acc_sh.at[pl.ds(r0, RPS)],
                    out_hbm.at[pl.ds(c * NP + r0, RPS)])


_agg_call = functools.partial(
    pl.kernel,
    out_type=jax.ShapeDtypeStruct((NC * NP, D), jnp.float32),
    mesh=_sc_mesh,
    scratch_types=[
        [pltpu.VMEM((K,), jnp.int32), pltpu.VMEM((K,), jnp.int32)],
        [pltpu.VMEM((K,), jnp.int32), pltpu.VMEM((K,), jnp.int32)],
        [pltpu.VMEM((K, D), jnp.float32), pltpu.VMEM((K, D), jnp.float32)],
        pltpu.VMEM_SHARED((NP, D), jnp.float32),
        [pltpu.SemaphoreType.DMA, pltpu.SemaphoreType.DMA],
        [pltpu.SemaphoreType.DMA, pltpu.SemaphoreType.DMA],
        [pltpu.SemaphoreType.DMA, pltpu.SemaphoreType.DMA],
        [pltpu.SemaphoreType.DMA, pltpu.SemaphoreType.DMA],
    ],
)(_agg_body)


BR = 2000

def _tc1_body(x_ref, w_ref, d_ref, o_ref):
    h = jnp.dot(x_ref[...], w_ref[...], preferred_element_type=jnp.float32)
    o_ref[...] = h * lax.rsqrt(d_ref[...])


def _tc2_body(p0_ref, p1_ref, t_ref, d_ref, b_ref, w_ref, o_ref):
    dis = lax.rsqrt(d_ref[...])
    z = dis * (p0_ref[...] + p1_ref[...] - t_ref[...]) + b_ref[...]
    z = jnp.maximum(z, 0.0)
    o_ref[...] = jnp.dot(z, w_ref[...],
                         preferred_element_type=jnp.float32) * dis


def _tc3_body(q0_ref, q1_ref, t_ref, d_ref, b_ref, o_ref):
    dis = lax.rsqrt(d_ref[...])
    o_ref[...] = dis * (q0_ref[...] + q1_ref[...] - t_ref[...]) + b_ref[...]


_row = pl.BlockSpec((BR, D), lambda i: (i, 0))
_wfull = pl.BlockSpec((D, D), lambda i: (0, 0))
_bfull = pl.BlockSpec((1, D), lambda i: (0, 0))
_grid = (N // BR,)
_out_rows = jax.ShapeDtypeStruct((N, D), jnp.float32)

_tc1 = pl.pallas_call(
    _tc1_body, grid=_grid,
    in_specs=[_row, _wfull, _row],
    out_specs=_row, out_shape=_out_rows)

_tc2 = pl.pallas_call(
    _tc2_body, grid=_grid,
    in_specs=[_row, _row, _row, _row, _bfull, _wfull],
    out_specs=_row, out_shape=_out_rows)

_tc3 = pl.pallas_call(
    _tc3_body, grid=_grid,
    in_specs=[_row, _row, _row, _row, _bfull],
    out_specs=_row, out_shape=_out_rows)


@jax.jit
def kernel(x, edge_index, W1, b1, W2, b2):
    src = edge_index[0].astype(jnp.int32)
    dst = edge_index[1].astype(jnp.int32)
    pad = N + jnp.arange(EP - E, dtype=jnp.int32) % (NP - N)
    src1 = jnp.concatenate([src, pad])
    dst1 = jnp.concatenate([dst, pad])
    dst2 = dst1.reshape(ES, K)

    degp = _deg_call(dst2)
    deg = degp[:N] + degp[NP:NP + N] + 1.0
    degb = jnp.broadcast_to(deg[:, None], (N, D))

    b1r = b1.reshape(1, D)
    b2r = b2.reshape(1, D)

    h1p = _tc1(x, W1, degb)
    h1pp = jnp.pad(h1p, ((0, NP - N), (0, 0)))
    p = _agg_call(h1pp, src1, dst1)
    h2p = _tc2(p[:N], p[NP:NP + N], h1p, degb, b1r, W2)
    h2pp = jnp.pad(h2p, ((0, NP - N), (0, 0)))
    q = _agg_call(h2pp, src1, dst1)
    return _tc3(q[:N], q[NP:NP + N], h2p, degb, b2r)

# --- scband reference (transcript-rebuilt; emitter-appended) ---
"""Pipeline reference for scband-gcnencoder-9646496547653 (READ-ONLY COPY).

The authoritative reference and input builder live on the scoring server;
editing this copy changes nothing except your own understanding.
"""

import jax, jax.numpy as jnp
import numpy as np

N_NODES = 10000
N_EDGES = 320000
D_IN = 128
D_HID = 128


def setup_inputs(seed: int = 0) -> dict:
    key = jax.random.key(seed)
    k_x, k_ei, k_w1, k_w2 = jax.random.split(key, 4)
    x = jax.random.normal(k_x, (N_NODES, D_IN), dtype=jnp.float32)
    edge_index = jax.random.randint(k_ei, (2, N_EDGES), 0, N_NODES, dtype=jnp.int64)
    # Glorot-style init for GCN linear layers, zero bias (PyG default)
    s1 = float(np.sqrt(6.0 / (D_IN + D_HID)))
    W1 = jax.random.uniform(k_w1, (D_IN, D_HID), minval=-s1, maxval=s1, dtype=jnp.float32)
    b1 = jnp.zeros((D_HID,), dtype=jnp.float32)
    s2 = float(np.sqrt(6.0 / (D_HID + D_HID)))
    W2 = jax.random.uniform(k_w2, (D_HID, D_HID), minval=-s2, maxval=s2, dtype=jnp.float32)
    b2 = jnp.zeros((D_HID,), dtype=jnp.float32)
    return {"x": x, "edge_index": edge_index, "W1": W1, "b1": b1, "W2": W2, "b2": b2}


def _gcn_conv(x, src, dst, W, b, num_nodes):
    # PyG GCNConv: add self-loops, symmetric normalization D^-1/2 (A+I) D^-1/2, then linear.
    loop = jnp.arange(num_nodes, dtype=src.dtype)
    s = jnp.concatenate([src, loop], axis=0)
    d = jnp.concatenate([dst, loop], axis=0)
    ones = jnp.ones(s.shape[0], dtype=x.dtype)
    deg = jnp.zeros((num_nodes,), dtype=x.dtype).at[d].add(ones)
    deg_inv_sqrt = jnp.where(deg > 0, jax.lax.rsqrt(deg), 0.0)
    norm = deg_inv_sqrt[s] * deg_inv_sqrt[d]
    h = x @ W
    msg = h[s] * norm[:, None]
    out = jnp.zeros((num_nodes, W.shape[1]), dtype=x.dtype).at[d].add(msg)
    return out + b


def reference(x, edge_index, W1, b1, W2, b2):
    # Eval mode: dropout (p=0.2) is identity.
    src, dst = edge_index[0], edge_index[1]
    h = jax.nn.relu(_gcn_conv(x, src, dst, W1, b1, N_NODES))
    out = _gcn_conv(h, src, dst, W2, b2, N_NODES)
    return out

if __name__ == "__main__":
    import jax
    _d = setup_inputs()
    print(jax.jit(kernel)(*tuple(_d.values())))

</pallas_src>

<mosaic_0001>
#map = affine_map<(d0, d1) -> (0, 0)>
#map1 = affine_map<(d0, d1) -> (0)>
module attributes {stable_mosaic.version = 14 : i64} {
  func.func @_agg_body(%arg0: i32, %arg1: i32, %arg2: memref<10240x128xf32, #tpu.memory_space<hbm>>, %arg3: memref<327680xi32, #tpu.memory_space<hbm>>, %arg4: memref<327680xi32, #tpu.memory_space<hbm>>, %arg5: memref<20480x128xf32, #tpu.memory_space<hbm>>, %arg6: memref<128xi32, #tpu.memory_space<vmem>>, %arg7: memref<128xi32, #tpu.memory_space<vmem>>, %arg8: memref<128xi32, #tpu.memory_space<vmem>>, %arg9: memref<128xi32, #tpu.memory_space<vmem>>, %arg10: memref<128x128xf32, #tpu.memory_space<vmem>>, %arg11: memref<128x128xf32, #tpu.memory_space<vmem>>, %arg12: memref<10240x128xf32, #tpu.memory_space<vmem_shared>>, %arg13: memref<!tpu.dma_semaphore, #tpu.memory_space<semaphore_mem>>, %arg14: memref<!tpu.dma_semaphore, #tpu.memory_space<semaphore_mem>>, %arg15: memref<!tpu.dma_semaphore, #tpu.memory_space<semaphore_mem>>, %arg16: memref<!tpu.dma_semaphore, #tpu.memory_space<semaphore_mem>>, %arg17: memref<!tpu.dma_semaphore, #tpu.memory_space<semaphore_mem>>, %arg18: memref<!tpu.dma_semaphore, #tpu.memory_space<semaphore_mem>>, %arg19: memref<!tpu.dma_semaphore, #tpu.memory_space<semaphore_mem>>, %arg20: memref<!tpu.dma_semaphore, #tpu.memory_space<semaphore_mem>>) attributes {dimension_semantics = [#tpu.dimension_semantics<core_parallel>, #tpu.dimension_semantics<subcore_parallel>], iteration_bounds = array<i64: 2, 16>, scalar_prefetch = 0 : i64, scratch_operands = 15 : i64, tpu.core_type = #tpu.core_type<sc_vector_subcore>, window_params = [{transform_indices = #map}, {transform_indices = #map1}, {transform_indices = #map1}, {transform_indices = #map}]} {
    %mul3A = arith.constant 2 : i32
    %mul3A_0 = arith.muli %arg1, %mul3A : i32
    %add3A = arith.addi %mul3A_0, %arg0 : i32
    %mul3A_1 = arith.constant 640 : i32
    %mul3A_2 = arith.muli %arg1, %mul3A_1 : i32
    %mul3A_3 = arith.constant 80 : i32
    %mul3A_4 = arith.muli %add3A, %mul3A_3 : i32
    %mul3A_5 = arith.constant 128 : i32
    %mul3A_6 = arith.muli %mul3A_4, %mul3A_5 : i32
    %add3A_7 = arith.constant 0 : i32
    %add3A_8 = arith.addi %mul3A_6, %add3A_7 : i32
    %dma_start3A = tpu.memref_slice %arg3[%add3A_8] : memref<327680xi32, #tpu.memory_space<hbm>> -> memref<128xi32, #tpu.memory_space<hbm>>
    %dma_start3A_9 = tpu.memref_slice %arg3[%add3A_8] : memref<327680xi32, #tpu.memory_space<hbm>> -> memref<128xi32, #tpu.memory_space<hbm>>
    tpu.enqueue_dma source(%dma_start3A_9 : memref<128xi32, #tpu.memory_space<hbm>>) target(%arg6 : memref<128xi32, #tpu.memory_space<vmem>>) target_semaphore(%arg13 : memref<!tpu.dma_semaphore, #tpu.memory_space<semaphore_mem>>)
    %add3A_10 = arith.constant 0 : i32
    %add3A_11 = arith.addi %mul3A_6, %add3A_10 : i32
    %dma_start3A_12 = tpu.memref_slice %arg4[%add3A_11] : memref<327680xi32, #tpu.memory_space<hbm>> -> memref<128xi32, #tpu.memory_space<hbm>>
    %dma_start3A_13 = tpu.memref_slice %arg4[%add3A_11] : memref<327680xi32, #tpu.memory_space<hbm>> -> memref<128xi32, #tpu.memory_space<hbm>>
    tpu.enqueue_dma source(%dma_start3A_13 : memref<128xi32, #tpu.memory_space<hbm>>) target(%arg8 : memref<128xi32, #tpu.memory_space<vmem>>) target_semaphore(%arg15 : memref<!tpu.dma_semaphore, #tpu.memory_space<semaphore_mem>>)
    %add3A_14 = arith.constant 128 : i32
    %add3A_15 = arith.addi %mul3A_6, %add3A_14 : i32
    %dma_start3A_16 = tpu.memref_slice %arg3[%add3A_15] : memref<327680xi32, #tpu.memory_space<hbm>> -> memref<128xi32, #tpu.memory_space<hbm>>
    %dma_start3A_17 = tpu.memref_slice %arg3[%add3A_15] : memref<327680xi32, #tpu.memory_space<hbm>> -> memref<128xi32, #tpu.memory_space<hbm>>
    tpu.enqueue_dma source(%dma_start3A_17 : memref<128xi32, #tpu.memory_space<hbm>>) target(%arg7 : memref<128xi32, #tpu.memory_space<vmem>>) target_semaphore(%arg14 : memref<!tpu.dma_semaphore, #tpu.memory_space<semaphore_mem>>)
    "tpu.region"() ({
      %run_scoped3A = tpu.sem_alloc : memref<!tpu.dma_semaphore, #tpu.memory_space<semaphore_mem>>
      %dma_start3A_36 = arith.constant 0 : i32
      %dma_start3A_37 = tpu.memref_slice %arg12[%mul3A_2, %dma_start3A_36] : memref<10240x128xf32, #tpu.memory_space<vmem_shared>> -> memref<640x128xf32, #tpu.memory_space<vmem_shared>>
      %dma_start3A_38 = arith.constant 0 : i32
      %dma_start3A_39 = tpu.memref_slice %arg2[%mul3A_2, %dma_start3A_38] : memref<10240x128xf32, #tpu.memory_space<hbm>> -> memref<640x128xf32, #tpu.memory_space<hbm>>
      tpu.enqueue_dma source(%dma_start3A_39 : memref<640x128xf32, #tpu.memory_space<hbm>>) target(%dma_start3A_37 : memref<640x128xf32, #tpu.memory_space<vmem_shared>>) target_semaphore(%run_scoped3A : memref<!tpu.dma_semaphore, #tpu.memory_space<semaphore_mem>>)
      %dma_wait3A_40 = arith.constant 0 : i32
      %dma_wait3A_41 = tpu.memref_slice %arg12[%mul3A_2, %dma_wait3A_40] : memref<10240x128xf32, #tpu.memory_space<vmem_shared>> -> memref<640x128xf32, #tpu.memory_space<vmem_shared>>
      %dma_wait3A_42 = arith.constant 0 : i32
      %dma_wait3A_43 = tpu.memref_slice %arg2[%mul3A_2, %dma_wait3A_42] : memref<10240x128xf32, #tpu.memory_space<hbm>> -> memref<640x128xf32, #tpu.memory_space<hbm>>
      tpu.wait_dma2 semaphore(%run_scoped3A : memref<!tpu.dma_semaphore, #tpu.memory_space<semaphore_mem>>) src(%dma_wait3A_43 : memref<640x128xf32, #tpu.memory_space<hbm>>) dst(%dma_wait3A_41 : memref<640x128xf32, #tpu.memory_space<vmem_shared>>)
      tpu.yield
    }) : () -> ()
    %dma_wait3A = arith.constant 0 : i32
    %dma_wait3A_18 = tpu.memref_slice %arg3[%dma_wait3A] : memref<327680xi32, #tpu.memory_space<hbm>> -> memref<128xi32, #tpu.memory_space<hbm>>
    %dma_wait3A_19 = arith.constant 0 : i32
    %dma_wait3A_20 = tpu.memref_slice %arg3[%dma_wait3A_19] : memref<327680xi32, #tpu.memory_space<hbm>> -> memref<128xi32, #tpu.memory_space<hbm>>
    tpu.wait_dma2 semaphore(%arg13 : memref<!tpu.dma_semaphore, #tpu.memory_space<semaphore_mem>>) src(%dma_wait3A_20 : memref<128xi32, #tpu.memory_space<hbm>>) dst(%arg6 : memref<128xi32, #tpu.memory_space<vmem>>)
    %dma_start3A_21 = arith.constant 0 : i32
    %dma_start3A_22 = arith.constant 0 : i32
    %dma_start3A_23 = tpu.memref_slice %arg2[%dma_start3A_21, %dma_start3A_22] : memref<10240x128xf32, #tpu.memory_space<hbm>> -> memref<10240x128xf32, #tpu.memory_space<hbm>>
    tpu.enqueue_indirect_dma source(%dma_start3A_23 : memref<10240x128xf32, #tpu.memory_space<hbm>>) target(%arg10 : memref<128x128xf32, #tpu.memory_space<vmem>>) offsets(%arg6 : memref<128xi32, #tpu.memory_space<vmem>>) semaphore(%arg17 : memref<!tpu.dma_semaphore, #tpu.memory_space<semaphore_mem>>)
    %barrier3A = arith.constant 0 : index
    tpu.barrier barrier_id(%barrier3A)
    %scan3A = arith.constant 0 : i32
    %scan3A_24 = arith.constant 0 : i32
    %scan3A_25 = arith.constant 40 : i32
    %scan3A_26 = arith.addi %scan3A_24, %scan3A_25 : i32
    %scan3A_27 = arith.constant 1 : i32
    scf.for %scan3A_36 = %scan3A_24 to %scan3A_26 step %scan3A_27  : i32 {
      %mul3A_37 = arith.constant 2 : i32
      %mul3A_38 = arith.muli %mul3A_37, %scan3A_36 : i32
      %add3A_39 = arith.constant 1 : i32
      %add3A_40 = arith.addi %scan3A_36, %add3A_39 : i32
      %lt3A = arith.constant 40 : i32
      %lt3A_41 = arith.cmpi slt, %add3A_40, %lt3A : i32
      %dma_wait3A_42 = arith.constant 0 : i32
      %dma_wait3A_43 = arith.constant 0 : i32
      %dma_wait3A_44 = tpu.memref_slice %arg2[%dma_wait3A_42, %dma_wait3A_43] : memref<10240x128xf32, #tpu.memory_space<hbm>> -> memref<10240x128xf32, #tpu.memory_space<hbm>>
      tpu.wait_indirect_dma semaphore(%arg17 : memref<!tpu.dma_semaphore, #tpu.memory_space<semaphore_mem>>) src(%dma_wait3A_44 : memref<10240x128xf32, #tpu.memory_space<hbm>>) dst(%arg10 : memref<128x128xf32, #tpu.memory_space<vmem>>)
      %dma_wait3A_45 = arith.constant 0 : i32
      %dma_wait3A_46 = tpu.memref_slice %arg4[%dma_wait3A_45] : memref<327680xi32, #tpu.memory_space<hbm>> -> memref<128xi32, #tpu.memory_space<hbm>>
      %dma_wait3A_47 = arith.constant 0 : i32
      %dma_wait3A_48 = tpu.memref_slice %arg4[%dma_wait3A_47] : memref<327680xi32, #tpu.memory_space<hbm>> -> memref<128xi32, #tpu.memory_space<hbm>>
      tpu.wait_dma2 semaphore(%arg15 : memref<!tpu.dma_semaphore, #tpu.memory_space<semaphore_mem>>) src(%dma_wait3A_48 : memref<128xi32, #tpu.memory_space<hbm>>) dst(%arg8 : memref<128xi32, #tpu.memory_space<vmem>>)
      %dma_start3A_49 = arith.constant 0 : i32
      %dma_start3A_50 = arith.constant 0 : i32
      %dma_start3A_51 = tpu.memref_slice %arg12[%dma_start3A_49, %dma_start3A_50] : memref<10240x128xf32, #tpu.memory_space<vmem_shared>> -> memref<10240x128xf32, #tpu.memory_space<vmem_shared>>
      tpu.enqueue_indirect_dma source(%arg10 : memref<128x128xf32, #tpu.memory_space<vmem>>) target(%dma_start3A_51 : memref<10240x128xf32, #tpu.memory_space<vmem_shared>>) offsets(%arg8 : memref<128xi32, #tpu.memory_space<vmem>>) semaphore(%arg19 : memref<!tpu.dma_semaphore, #tpu.memory_space<semaphore_mem>>) {add = true}
      %gt3A = arith.constant 0 : i32
      %gt3A_52 = arith.cmpi sgt, %scan3A_36, %gt3A : i32
      %convert_element_type3A = arith.extui %gt3A_52 : i1 to i32
      %cond3A = arith.constant 0 : i32
      %cond3A_53 = arith.cmpi ne, %convert_element_type3A, %cond3A : i32
      scf.if %cond3A_53 {
        %dma_wait3A_87 = arith.constant 0 : i32
        %dma_wait3A_88 = arith.constant 0 : i32
        %dma_wait3A_89 = tpu.memref_slice %arg12[%dma_wait3A_87, %dma_wait3A_88] : memref<10240x128xf32, #tpu.memory_space<vmem_shared>> -> memref<10240x128xf32, #tpu.memory_space<vmem_shared>>
        tpu.wait_indirect_dma semaphore(%arg20 : memref<!tpu.dma_semaphore, #tpu.memory_space<semaphore_mem>>) src(%arg11 : memref<128x128xf32, #tpu.memory_space<vmem>>) dst(%dma_wait3A_89 : memref<10240x128xf32, #tpu.memory_space<vmem_shared>>)
      } else {
      }
      %add3A_54 = arith.constant 1 : i32
      %add3A_55 = arith.addi %mul3A_38, %add3A_54 : i32
      %mul3A_56 = arith.constant 128 : i32
      %mul3A_57 = arith.muli %add3A_55, %mul3A_56 : i32
      %add3A_58 = arith.addi %mul3A_6, %mul3A_57 : i32
      %dma_start3A_59 = tpu.memref_slice %arg4[%add3A_58] : memref<327680xi32, #tpu.memory_space<hbm>> -> memref<128xi32, #tpu.memory_space<hbm>>
      %dma_start3A_60 = tpu.memref_slice %arg4[%add3A_58] : memref<327680xi32, #tpu.memory_space<hbm>> -> memref<128xi32, #tpu.memory_space<hbm>>
      tpu.enqueue_dma source(%dma_start3A_60 : memref<128xi32, #tpu.memory_space<hbm>>) target(%arg9 : memref<128xi32, #tpu.memory_space<vmem>>) target_semaphore(%arg16 : memref<!tpu.dma_semaphore, #tpu.memory_space<semaphore_mem>>)
      %dma_wait3A_61 = arith.constant 0 : i32
      %dma_wait3A_62 = tpu.memref_slice %arg3[%dma_wait3A_61] : memref<327680xi32, #tpu.memory_space<hbm>> -> memref<128xi32, #tpu.memory_space<hbm>>
      %dma_wait3A_63 = arith.constant 0 : i32
      %dma_wait3A_64 = tpu.memref_slice %arg3[%dma_wait3A_63] : memref<327680xi32, #tpu.memory_space<hbm>> -> memref<128xi32, #tpu.memory_space<hbm>>
      tpu.wait_dma2 semaphore(%arg14 : memref<!tpu.dma_semaphore, #tpu.memory_space<semaphore_mem>>) src(%dma_wait3A_64 : memref<128xi32, #tpu.memory_space<hbm>>) dst(%arg7 : memref<128xi32, #tpu.memory_space<vmem>>)
      %dma_start3A_65 = arith.constant 0 : i32
      %dma_start3A_66 = arith.constant 0 : i32
      %dma_start3A_67 = tpu.memref_slice %arg2[%dma_start3A_65, %dma_start3A_66] : memref<10240x128xf32, #tpu.memory_space<hbm>> -> memref<10240x128xf32, #tpu.memory_space<hbm>>
      tpu.enqueue_indirect_dma source(%dma_start3A_67 : memref<10240x128xf32, #tpu.memory_space<hbm>>) target(%arg11 : memref<128x128xf32, #tpu.memory_space<vmem>>) offsets(%arg7 : memref<128xi32, #tpu.memory_space<vmem>>) semaphore(%arg18 : memref<!tpu.dma_semaphore, #tpu.memory_space<semaphore_mem>>)
      %convert_element_type3A_68 = arith.extui %lt3A_41 : i1 to i32
      %cond3A_69 = arith.constant 0 : i32
      %cond3A_70 = arith.cmpi ne, %convert_element_type3A_68, %cond3A_69 : i32
      scf.if %cond3A_70 {
        %add3A_87 = arith.constant 2 : i32
        %add3A_88 = arith.addi %mul3A_38, %add3A_87 : i32
        %mul3A_89 = arith.constant 128 : i32
        %mul3A_90 = arith.muli %add3A_88, %mul3A_89 : i32
        %add3A_91 = arith.addi %mul3A_6, %mul3A_90 : i32
        %dma_start3A_92 = tpu.memref_slice %arg3[%add3A_91] : memref<327680xi32, #tpu.memory_space<hbm>> -> memref<128xi32, #tpu.memory_space<hbm>>
        %dma_start3A_93 = tpu.memref_slice %arg3[%add3A_91] : memref<327680xi32, #tpu.memory_space<hbm>> -> memref<128xi32, #tpu.memory_space<hbm>>
        tpu.enqueue_dma source(%dma_start3A_93 : memref<128xi32, #tpu.memory_space<hbm>>) target(%arg6 : memref<128xi32, #tpu.memory_space<vmem>>) target_semaphore(%arg13 : memref<!tpu.dma_semaphore, #tpu.memory_space<semaphore_mem>>)
      } else {
      }
      %dma_wait3A_71 = arith.constant 0 : i32
      %dma_wait3A_72 = arith.constant 0 : i32
      %dma_wait3A_73 = tpu.memref_slice %arg2[%dma_wait3A_71, %dma_wait3A_72] : memref<10240x128xf32, #tpu.memory_space<hbm>> -> memref<10240x128xf32, #tpu.memory_space<hbm>>
      tpu.wait_indirect_dma semaphore(%arg18 : memref<!tpu.dma_semaphore, #tpu.memory_space<semaphore_mem>>) src(%dma_wait3A_73 : memref<10240x128xf32, #tpu.memory_space<hbm>>) dst(%arg11 : memref<128x128xf32, #tpu.memory_space<vmem>>)
      %dma_wait3A_74 = arith.constant 0 : i32
      %dma_wait3A_75 = tpu.memref_slice %arg4[%dma_wait3A_74] : memref<327680xi32, #tpu.memory_space<hbm>> -> memref<128xi32, #tpu.memory_space<hbm>>
      %dma_wait3A_76 = arith.constant 0 : i32
      %dma_wait3A_77 = tpu.memref_slice %arg4[%dma_wait3A_76] : memref<327680xi32, #tpu.memory_space<hbm>> -> memref<128xi32, #tpu.memory_space<hbm>>
      tpu.wait_dma2 semaphore(%arg16 : memref<!tpu.dma_semaphore, #tpu.memory_space<semaphore_mem>>) src(%dma_wait3A_77 : memref<128xi32, #tpu.memory_space<hbm>>) dst(%arg9 : memref<128xi32, #tpu.memory_space<vmem>>)
      %dma_start3A_78 = arith.constant 0 : i32
      %dma_start3A_79 = arith.constant 0 : i32
      %dma_start3A_80 = tpu.memref_slice %arg12[%dma_start3A_78, %dma_start3A_79] : memref<10240x128xf32, #tpu.memory_space<vmem_shared>> -> memref<10240x128xf32, #tpu.memory_space<vmem_shared>>
      tpu.enqueue_indirect_dma source(%arg11 : memref<128x128xf32, #tpu.memory_space<vmem>>) target(%dma_start3A_80 : memref<10240x128xf32, #tpu.memory_space<vmem_shared>>) offsets(%arg9 : memref<128xi32, #tpu.memory_space<vmem>>) semaphore(%arg20 : memref<!tpu.dma_semaphore, #tpu.memory_space<semaphore_mem>>) {add = true}
      %dma_wait3A_81 = arith.constant 0 : i32
      %dma_wait3A_82 = arith.constant 0 : i32
      %dma_wait3A_83 = tpu.memref_slice %arg12[%dma_wait3A_81, %dma_wait3A_82] : memref<10240x128xf32, #tpu.memory_space<vmem_shared>> -> memref<10240x128xf32, #tpu.memory_space<vmem_shared>>
      tpu.wait_indirect_dma semaphore(%arg19 : memref<!tpu.dma_semaphore, #tpu.memory_space<semaphore_mem>>) src(%arg10 : memref<128x128xf32, #tpu.memory_space<vmem>>) dst(%dma_wait3A_83 : memref<10240x128xf32, #tpu.memory_space<vmem_shared>>)
      %convert_element_type3A_84 = arith.extui %lt3A_41 : i1 to i32
      %cond3A_85 = arith.constant 0 : i32
      %cond3A_86 = arith.cmpi ne, %convert_element_type3A_84, %cond3A_85 : i32
      scf.if %cond3A_86 {
        %add3A_87 = arith.constant 2 : i32
        %add3A_88 = arith.addi %mul3A_38, %add3A_87 : i32
        %mul3A_89 = arith.constant 128 : i32
        %mul3A_90 = arith.muli %add3A_88, %mul3A_89 : i32
        %add3A_91 = arith.addi %mul3A_6, %mul3A_90 : i32
        %dma_start3A_92 = tpu.memref_slice %arg4[%add3A_91] : memref<327680xi32, #tpu.memory_space<hbm>> -> memref<128xi32, #tpu.memory_space<hbm>>
        %dma_start3A_93 = tpu.memref_slice %arg4[%add3A_91] : memref<327680xi32, #tpu.memory_space<hbm>> -> memref<128xi32, #tpu.memory_space<hbm>>
        tpu.enqueue_dma source(%dma_start3A_93 : memref<128xi32, #tpu.memory_space<hbm>>) target(%arg8 : memref<128xi32, #tpu.memory_space<vmem>>) target_semaphore(%arg15 : memref<!tpu.dma_semaphore, #tpu.memory_space<semaphore_mem>>)
        %dma_wait3A_94 = arith.constant 0 : i32
        %dma_wait3A_95 = tpu.memref_slice %arg3[%dma_wait3A_94] : memref<327680xi32, #tpu.memory_space<hbm>> -> memref<128xi32, #tpu.memory_space<hbm>>
        %dma_wait3A_96 = arith.constant 0 : i32
        %dma_wait3A_97 = tpu.memref_slice %arg3[%dma_wait3A_96] : memref<327680xi32, #tpu.memory_space<hbm>> -> memref<128xi32, #tpu.memory_space<hbm>>
        tpu.wait_dma2 semaphore(%arg13 : memref<!tpu.dma_semaphore, #tpu.memory_space<semaphore_mem>>) src(%dma_wait3A_97 : memref<128xi32, #tpu.memory_space<hbm>>) dst(%arg6 : memref<128xi32, #tpu.memory_space<vmem>>)
        %dma_start3A_98 = arith.constant 0 : i32
        %dma_start3A_99 = arith.constant 0 : i32
        %dma_start3A_100 = tpu.memref_slice %arg2[%dma_start3A_98, %dma_start3A_99] : memref<10240x128xf32, #tpu.memory_space<hbm>> -> memref<10240x128xf32, #tpu.memory_space<hbm>>
        tpu.enqueue_indirect_dma source(%dma_start3A_100 : memref<10240x128xf32, #tpu.memory_space<hbm>>) target(%arg10 : memref<128x128xf32, #tpu.memory_space<vmem>>) offsets(%arg6 : memref<128xi32, #tpu.memory_space<vmem>>) semaphore(%arg17 : memref<!tpu.dma_semaphore, #tpu.memory_space<semaphore_mem>>)
        %add3A_101 = arith.constant 3 : i32
        %add3A_102 = arith.addi %mul3A_38, %add3A_101 : i32
        %mul3A_103 = arith.constant 128 : i32
        %mul3A_104 = arith.muli %add3A_102, %mul3A_103 : i32
        %add3A_105 = arith.addi %mul3A_6, %mul3A_104 : i32
        %dma_start3A_106 = tpu.memref_slice %arg3[%add3A_105] : memref<327680xi32, #tpu.memory_space<hbm>> -> memref<128xi32, #tpu.memory_space<hbm>>
        %dma_start3A_107 = tpu.memref_slice %arg3[%add3A_105] : memref<327680xi32, #tpu.memory_space<hbm>> -> memref<128xi32, #tpu.memory_space<hbm>>
        tpu.enqueue_dma source(%dma_start3A_107 : memref<128xi32, #tpu.memory_space<hbm>>) target(%arg7 : memref<128xi32, #tpu.memory_space<vmem>>) target_semaphore(%arg14 : memref<!tpu.dma_semaphore, #tpu.memory_space<semaphore_mem>>)
      } else {
      }
    }
    %scan3A_28 = arith.constant 40 : i32
    %dma_wait3A_29 = arith.constant 0 : i32
    %dma_wait3A_30 = arith.constant 0 : i32
    %dma_wait3A_31 = tpu.memref_slice %arg12[%dma_wait3A_29, %dma_wait3A_30] : memref<10240x128xf32, #tpu.memory_space<vmem_shared>> -> memref<10240x128xf32, #tpu.memory_space<vmem_shared>>
    tpu.wait_indirect_dma semaphore(%arg20 : memref<!tpu.dma_semaphore, #tpu.memory_space<semaphore_mem>>) src(%arg11 : memref<128x128xf32, #tpu.memory_space<vmem>>) dst(%dma_wait3A_31 : memref<10240x128xf32, #tpu.memory_space<vmem_shared>>)
    %barrier3A_32 = arith.constant 0 : index
    tpu.barrier barrier_id(%barrier3A_32)
    %mul3A_33 = arith.constant 10240 : i32
    %mul3A_34 = arith.muli %arg0, %mul3A_33 : i32
    %add3A_35 = arith.addi %mul3A_34, %mul3A_2 : i32
    "tpu.region"() ({
      %run_scoped3A = tpu.sem_alloc : memref<!tpu.dma_semaphore, #tpu.memory_space<semaphore_mem>>
      %dma_start3A_36 = arith.constant 0 : i32
      %dma_start3A_37 = tpu.memref_slice %arg5[%add3A_35, %dma_start3A_36] : memref<20480x128xf32, #tpu.memory_space<hbm>> -> memref<640x128xf32, #tpu.memory_space<hbm>>
      %dma_start3A_38 = arith.constant 0 : i32
      %dma_start3A_39 = tpu.memref_slice %arg12[%mul3A_2, %dma_start3A_38] : memref<10240x128xf32, #tpu.memory_space<vmem_shared>> -> memref<640x128xf32, #tpu.memory_space<vmem_shared>>
      tpu.enqueue_dma source(%dma_start3A_39 : memref<640x128xf32, #tpu.memory_space<vmem_shared>>) target(%dma_start3A_37 : memref<640x128xf32, #tpu.memory_space<hbm>>) target_semaphore(%run_scoped3A : memref<!tpu.dma_semaphore, #tpu.memory_space<semaphore_mem>>)
      %dma_wait3A_40 = arith.constant 0 : i32
      %dma_wait3A_41 = tpu.memref_slice %arg5[%add3A_35, %dma_wait3A_40] : memref<20480x128xf32, #tpu.memory_space<hbm>> -> memref<640x128xf32, #tpu.memory_space<hbm>>
      %dma_wait3A_42 = arith.constant 0 : i32
      %dma_wait3A_43 = tpu.memref_slice %arg12[%mul3A_2, %dma_wait3A_42] : memref<10240x128xf32, #tpu.memory_space<vmem_shared>> -> memref<640x128xf32, #tpu.memory_space<vmem_shared>>
      tpu.wait_dma2 semaphore(%run_scoped3A : memref<!tpu.dma_semaphore, #tpu.memory_space<semaphore_mem>>) src(%dma_wait3A_43 : memref<640x128xf32, #tpu.memory_space<vmem_shared>>) dst(%dma_wait3A_41 : memref<640x128xf32, #tpu.memory_space<hbm>>)
      tpu.yield
    }) : () -> ()
    return
  }
}

#map = affine_map<(d0, d1) -> (0, 0)>
#map1 = affine_map<(d0, d1) -> (0)>
module attributes {stable_mosaic.version = 14 : i64} {
  func.func @_deg_body(%arg0: i32, %arg1: i32, %arg2: memref<2560x128xi32, #tpu.memory_space<hbm>>, %arg3: memref<20480xf32, #tpu.memory_space<hbm>>, %arg4: memref<80x128xi32, #tpu.memory_space<vmem>>, %arg5: memref<128xf32, #tpu.memory_space<vmem>>, %arg6: memref<10240xf32, #tpu.memory_space<vmem_shared>>, %arg7: memref<!tpu.dma_semaphore, #tpu.memory_space<semaphore_mem>>) attributes {dimension_semantics = [#tpu.dimension_semantics<core_parallel>, #tpu.dimension_semantics<subcore_parallel>], iteration_bounds = array<i64: 2, 16>, scalar_prefetch = 0 : i64, scratch_operands = 4 : i64, tpu.core_type = #tpu.core_type<sc_vector_subcore>, window_params = [{transform_indices = #map}, {transform_indices = #map1}]} {
    %mul3A = arith.constant 2 : i32
    %mul3A_0 = arith.muli %arg1, %mul3A : i32
    %add3A = arith.addi %mul3A_0, %arg0 : i32
    %mul3A_1 = arith.constant 640 : i32
    %mul3A_2 = arith.muli %arg1, %mul3A_1 : i32
    %broadcast_in_dim3A = arith.constant 0.000000e+00 : f32
    %broadcast_in_dim3A_3 = vector.broadcast %broadcast_in_dim3A : f32 to vector<16xf32>
    %swap3A = arith.constant 0 : index
    %swap3A_4 = tpu.vector_load %arg5[%swap3A] {strides = array<i32>} : memref<128xf32, #tpu.memory_space<vmem>>, vector<16xf32>,
    %swap3A_5 = vector.shape_cast %swap3A_4 : vector<16xf32> to vector<16xf32>
    %swap3A_6 = vector.shape_cast %broadcast_in_dim3A_3 : vector<16xf32> to vector<16xf32>
    tpu.vector_store %arg5[%swap3A], %swap3A_6 {strides = array<i32>} : memref<128xf32, #tpu.memory_space<vmem>>, vector<16xf32>,
    %broadcast_in_dim3A_7 = arith.constant 0.000000e+00 : f32
    %broadcast_in_dim3A_8 = vector.broadcast %broadcast_in_dim3A_7 : f32 to vector<16xf32>
    %swap3A_9 = arith.constant 16 : index
    %swap3A_10 = tpu.vector_load %arg5[%swap3A_9] {strides = array<i32>} : memref<128xf32, #tpu.memory_space<vmem>>, vector<16xf32>,
    %swap3A_11 = vector.shape_cast %swap3A_10 : vector<16xf32> to vector<16xf32>
    %swap3A_12 = vector.shape_cast %broadcast_in_dim3A_8 : vector<16xf32> to vector<16xf32>
    tpu.vector_store %arg5[%swap3A_9], %swap3A_12 {strides = array<i32>} : memref<128xf32, #tpu.memory_space<vmem>>, vector<16xf32>,
    %broadcast_in_dim3A_13 = arith.constant 0.000000e+00 : f32
    %broadcast_in_dim3A_14 = vector.broadcast %broadcast_in_dim3A_13 : f32 to vector<16xf32>
    %swap3A_15 = arith.constant 32 : index
    %swap3A_16 = tpu.vector_load %arg5[%swap3A_15] {strides = array<i32>} : memref<128xf32, #tpu.memory_space<vmem>>, vector<16xf32>,
    %swap3A_17 = vector.shape_cast %swap3A_16 : vector<16xf32> to vector<16xf32>
    %swap3A_18 = vector.shape_cast %broadcast_in_dim3A_14 : vector<16xf32> to vector<16xf32>
    tpu.vector_store %arg5[%swap3A_15], %swap3A_18 {strides = array<i32>} : memref<128xf32, #tpu.memory_space<vmem>>, vector<16xf32>,
    %broadcast_in_dim3A_19 = arith.constant 0.000000e+00 : f32
    %broadcast_in_dim3A_20 = vector.broadcast %broadcast_in_dim3A_19 : f32 to vector<16xf32>
    %swap3A_21 = arith.constant 48 : index
    %swap3A_22 = tpu.vector_load %arg5[%swap3A_21] {strides = array<i32>} : memref<128xf32, #tpu.memory_space<vmem>>, vector<16xf32>,
    %swap3A_23 = vector.shape_cast %swap3A_22 : vector<16xf32> to vector<16xf32>
    %swap3A_24 = vector.shape_cast %broadcast_in_dim3A_20 : vector<16xf32> to vector<16xf32>
    tpu.vector_store %arg5[%swap3A_21], %swap3A_24 {strides = array<i32>} : memref<128xf32, #tpu.memory_space<vmem>>, vector<16xf32>,
    %broadcast_in_dim3A_25 = arith.constant 0.000000e+00 : f32
    %broadcast_in_dim3A_26 = vector.broadcast %broadcast_in_dim3A_25 : f32 to vector<16xf32>
    %swap3A_27 = arith.constant 64 : index
    %swap3A_28 = tpu.vector_load %arg5[%swap3A_27] {strides = array<i32>} : memref<128xf32, #tpu.memory_space<vmem>>, vector<16xf32>,
    %swap3A_29 = vector.shape_cast %swap3A_28 : vector<16xf32> to vector<16xf32>
    %swap3A_30 = vector.shape_cast %broadcast_in_dim3A_26 : vector<16xf32> to vector<16xf32>
    tpu.vector_store %arg5[%swap3A_27], %swap3A_30 {strides = array<i32>} : memref<128xf32, #tpu.memory_space<vmem>>, vector<16xf32>,
    %broadcast_in_dim3A_31 = arith.constant 0.000000e+00 : f32
    %broadcast_in_dim3A_32 = vector.broadcast %broadcast_in_dim3A_31 : f32 to vector<16xf32>
    %swap3A_33 = arith.constant 80 : index
    %swap3A_34 = tpu.vector_load %arg5[%swap3A_33] {strides = array<i32>} : memref<128xf32, #tpu.memory_space<vmem>>, vector<16xf32>,
    %swap3A_35 = vector.shape_cast %swap3A_34 : vector<16xf32> to vector<16xf32>
    %swap3A_36 = vector.shape_cast %broadcast_in_dim3A_32 : vector<16xf32> to vector<16xf32>
    tpu.vector_store %arg5[%swap3A_33], %swap3A_36 {strides = array<i32>} : memref<128xf32, #tpu.memory_space<vmem>>, vector<16xf32>,
    %broadcast_in_dim3A_37 = arith.constant 0.000000e+00 : f32
    %broadcast_in_dim3A_38 = vector.broadcast %broadcast_in_dim3A_37 : f32 to vector<16xf32>
    %swap3A_39 = arith.constant 96 : index
    %swap3A_40 = tpu.vector_load %arg5[%swap3A_39] {strides = array<i32>} : memref<128xf32, #tpu.memory_space<vmem>>, vector<16xf32>,
    %swap3A_41 = vector.shape_cast %swap3A_40 : vector<16xf32> to vector<16xf32>
    %swap3A_42 = vector.shape_cast %broadcast_in_dim3A_38 : vector<16xf32> to vector<16xf32>
    tpu.vector_store %arg5[%swap3A_39], %swap3A_42 {strides = array<i32>} : memref<128xf32, #tpu.memory_space<vmem>>, vector<16xf32>,
    %broadcast_in_dim3A_43 = arith.constant 0.000000e+00 : f32
    %broadcast_in_dim3A_44 = vector.broadcast %broadcast_in_dim3A_43 : f32 to vector<16xf32>
    %swap3A_45 = arith.constant 112 : index
    %swap3A_46 = tpu.vector_load %arg5[%swap3A_45] {strides = array<i32>} : memref<128xf32, #tpu.memory_space<vmem>>, vector<16xf32>,
    %swap3A_47 = vector.shape_cast %swap3A_46 : vector<16xf32> to vector<16xf32>
    %swap3A_48 = vector.shape_cast %broadcast_in_dim3A_44 : vector<16xf32> to vector<16xf32>
    tpu.vector_store %arg5[%swap3A_45], %swap3A_48 {strides = array<i32>} : memref<128xf32, #tpu.memory_space<vmem>>, vector<16xf32>,
    %add3A_49 = arith.constant 0 : i32
    %add3A_50 = arith.addi %mul3A_2, %add3A_49 : i32
    "tpu.region"() ({
      %run_scoped3A = tpu.sem_alloc : memref<!tpu.dma_semaphore, #tpu.memory_space<semaphore_mem>>
      %dma_start3A = tpu.memref_slice %arg6[%add3A_50] : memref<10240xf32, #tpu.memory_space<vmem_shared>> -> memref<128xf32, #tpu.memory_space<vmem_shared>>
      %dma_start3A_123 = tpu.memref_slice %arg6[%add3A_50] : memref<10240xf32, #tpu.memory_space<vmem_shared>> -> memref<128xf32, #tpu.memory_space<vmem_shared>>
      tpu.enqueue_dma source(%arg5 : memref<128xf32, #tpu.memory_space<vmem>>) target(%dma_start3A_123 : memref<128xf32, #tpu.memory_space<vmem_shared>>) target_semaphore(%run_scoped3A : memref<!tpu.dma_semaphore, #tpu.memory_space<semaphore_mem>>)
      %dma_wait3A_124 = tpu.memref_slice %arg6[%add3A_50] : memref<10240xf32, #tpu.memory_space<vmem_shared>> -> memref<128xf32, #tpu.memory_space<vmem_shared>>
      %dma_wait3A_125 = tpu.memref_slice %arg6[%add3A_50] : memref<10240xf32, #tpu.memory_space<vmem_shared>> -> memref<128xf32, #tpu.memory_space<vmem_shared>>
      tpu.wait_dma2 semaphore(%run_scoped3A : memref<!tpu.dma_semaphore, #tpu.memory_space<semaphore_mem>>) src(%arg5 : memref<128xf32, #tpu.memory_space<vmem>>) dst(%dma_wait3A_125 : memref<128xf32, #tpu.memory_space<vmem_shared>>)
      tpu.yield
    }) : () -> ()
    %add3A_51 = arith.constant 128 : i32
    %add3A_52 = arith.addi %mul3A_2, %add3A_51 : i32
    "tpu.region"() ({
      %run_scoped3A = tpu.sem_alloc : memref<!tpu.dma_semaphore, #tpu.memory_space<semaphore_mem>>
      %dma_start3A = tpu.memref_slice %arg6[%add3A_52] : memref<10240xf32, #tpu.memory_space<vmem_shared>> -> memref<128xf32, #tpu.memory_space<vmem_shared>>
      %dma_start3A_123 = tpu.memref_slice %arg6[%add3A_52] : memref<10240xf32, #tpu.memory_space<vmem_shared>> -> memref<128xf32, #tpu.memory_space<vmem_shared>>
      tpu.enqueue_dma source(%arg5 : memref<128xf32, #tpu.memory_space<vmem>>) target(%dma_start3A_123 : memref<128xf32, #tpu.memory_space<vmem_shared>>) target_semaphore(%run_scoped3A : memref<!tpu.dma_semaphore, #tpu.memory_space<semaphore_mem>>)
      %dma_wait3A_124 = tpu.memref_slice %arg6[%add3A_52] : memref<10240xf32, #tpu.memory_space<vmem_shared>> -> memref<128xf32, #tpu.memory_space<vmem_shared>>
      %dma_wait3A_125 = tpu.memref_slice %arg6[%add3A_52] : memref<10240xf32, #tpu.memory_space<vmem_shared>> -> memref<128xf32, #tpu.memory_space<vmem_shared>>
      tpu.wait_dma2 semaphore(%run_scoped3A : memref<!tpu.dma_semaphore, #tpu.memory_space<semaphore_mem>>) src(%arg5 : memref<128xf32, #tpu.memory_space<vmem>>) dst(%dma_wait3A_125 : memref<128xf32, #tpu.memory_space<vmem_shared>>)
      tpu.yield
    }) : () -> ()
    %add3A_53 = arith.constant 256 : i32
    %add3A_54 = arith.addi %mul3A_2, %add3A_53 : i32
    "tpu.region"() ({
      %run_scoped3A = tpu.sem_alloc : memref<!tpu.dma_semaphore, #tpu.memory_space<semaphore_mem>>
      %dma_start3A = tpu.memref_slice %arg6[%add3A_54] : memref<10240xf32, #tpu.memory_space<vmem_shared>> -> memref<128xf32, #tpu.memory_space<vmem_shared>>
      %dma_start3A_123 = tpu.memref_slice %arg6[%add3A_54] : memref<10240xf32, #tpu.memory_space<vmem_shared>> -> memref<128xf32, #tpu.memory_space<vmem_shared>>
      tpu.enqueue_dma source(%arg5 : memref<128xf32, #tpu.memory_space<vmem>>) target(%dma_start3A_123 : memref<128xf32, #tpu.memory_space<vmem_shared>>) target_semaphore(%run_scoped3A : memref<!tpu.dma_semaphore, #tpu.memory_space<semaphore_mem>>)
      %dma_wait3A_124 = tpu.memref_slice %arg6[%add3A_54] : memref<10240xf32, #tpu.memory_space<vmem_shared>> -> memref<128xf32, #tpu.memory_space<vmem_shared>>
      %dma_wait3A_125 = tpu.memref_slice %arg6[%add3A_54] : memref<10240xf32, #tpu.memory_space<vmem_shared>> -> memref<128xf32, #tpu.memory_space<vmem_shared>>
      tpu.wait_dma2 semaphore(%run_scoped3A : memref<!tpu.dma_semaphore, #tpu.memory_space<semaphore_mem>>) src(%arg5 : memref<128xf32, #tpu.memory_space<vmem>>) dst(%dma_wait3A_125 : memref<128xf32, #tpu.memory_space<vmem_shared>>)
      tpu.yield
    }) : () -> ()
    %add3A_55 = arith.constant 384 : i32
    %add3A_56 = arith.addi %mul3A_2, %add3A_55 : i32
    "tpu.region"() ({
      %run_scoped3A = tpu.sem_alloc : memref<!tpu.dma_semaphore, #tpu.memory_space<semaphore_mem>>
      %dma_start3A = tpu.memref_slice %arg6[%add3A_56] : memref<10240xf32, #tpu.memory_space<vmem_shared>> -> memref<128xf32, #tpu.memory_space<vmem_shared>>
      %dma_start3A_123 = tpu.memref_slice %arg6[%add3A_56] : memref<10240xf32, #tpu.memory_space<vmem_shared>> -> memref<128xf32, #tpu.memory_space<vmem_shared>>
      tpu.enqueue_dma source(%arg5 : memref<128xf32, #tpu.memory_space<vmem>>) target(%dma_start3A_123 : memref<128xf32, #tpu.memory_space<vmem_shared>>) target_semaphore(%run_scoped3A : memref<!tpu.dma_semaphore, #tpu.memory_space<semaphore_mem>>)
      %dma_wait3A_124 = tpu.memref_slice %arg6[%add3A_56] : memref<10240xf32, #tpu.memory_space<vmem_shared>> -> memref<128xf32, #tpu.memory_space<vmem_shared>>
      %dma_wait3A_125 = tpu.memref_slice %arg6[%add3A_56] : memref<10240xf32, #tpu.memory_space<vmem_shared>> -> memref<128xf32, #tpu.memory_space<vmem_shared>>
      tpu.wait_dma2 semaphore(%run_scoped3A : memref<!tpu.dma_semaphore, #tpu.memory_space<semaphore_mem>>) src(%arg5 : memref<128xf32, #tpu.memory_space<vmem>>) dst(%dma_wait3A_125 : memref<128xf32, #tpu.memory_space<vmem_shared>>)
      tpu.yield
    }) : () -> ()
    %add3A_57 = arith.constant 512 : i32
    %add3A_58 = arith.addi %mul3A_2, %add3A_57 : i32
    "tpu.region"() ({
      %run_scoped3A = tpu.sem_alloc : memref<!tpu.dma_semaphore, #tpu.memory_space<semaphore_mem>>
      %dma_start3A = tpu.memref_slice %arg6[%add3A_58] : memref<10240xf32, #tpu.memory_space<vmem_shared>> -> memref<128xf32, #tpu.memory_space<vmem_shared>>
      %dma_start3A_123 = tpu.memref_slice %arg6[%add3A_58] : memref<10240xf32, #tpu.memory_space<vmem_shared>> -> memref<128xf32, #tpu.memory_space<vmem_shared>>
      tpu.enqueue_dma source(%arg5 : memref<128xf32, #tpu.memory_space<vmem>>) target(%dma_start3A_123 : memref<128xf32, #tpu.memory_space<vmem_shared>>) target_semaphore(%run_scoped3A : memref<!tpu.dma_semaphore, #tpu.memory_space<semaphore_mem>>)
      %dma_wait3A_124 = tpu.memref_slice %arg6[%add3A_58] : memref<10240xf32, #tpu.memory_space<vmem_shared>> -> memref<128xf32, #tpu.memory_space<vmem_shared>>
      %dma_wait3A_125 = tpu.memref_slice %arg6[%add3A_58] : memref<10240xf32, #tpu.memory_space<vmem_shared>> -> memref<128xf32, #tpu.memory_space<vmem_shared>>
      tpu.wait_dma2 semaphore(%run_scoped3A : memref<!tpu.dma_semaphore, #tpu.memory_space<semaphore_mem>>) src(%arg5 : memref<128xf32, #tpu.memory_space<vmem>>) dst(%dma_wait3A_125 : memref<128xf32, #tpu.memory_space<vmem_shared>>)
      tpu.yield
    }) : () -> ()
    %broadcast_in_dim3A_59 = arith.constant 1.000000e+00 : f32
    %broadcast_in_dim3A_60 = vector.broadcast %broadcast_in_dim3A_59 : f32 to vector<16xf32>
    %swap3A_61 = arith.constant 0 : index
    %swap3A_62 = tpu.vector_load %arg5[%swap3A_61] {strides = array<i32>} : memref<128xf32, #tpu.memory_space<vmem>>, vector<16xf32>,
    %swap3A_63 = vector.shape_cast %swap3A_62 : vector<16xf32> to vector<16xf32>
    %swap3A_64 = vector.shape_cast %broadcast_in_dim3A_60 : vector<16xf32> to vector<16xf32>
    tpu.vector_store %arg5[%swap3A_61], %swap3A_64 {strides = array<i32>} : memref<128xf32, #tpu.memory_space<vmem>>, vector<16xf32>,
    %broadcast_in_dim3A_65 = arith.constant 1.000000e+00 : f32
    %broadcast_in_dim3A_66 = vector.broadcast %broadcast_in_dim3A_65 : f32 to vector<16xf32>
    %swap3A_67 = arith.constant 16 : index
    %swap3A_68 = tpu.vector_load %arg5[%swap3A_67] {strides = array<i32>} : memref<128xf32, #tpu.memory_space<vmem>>, vector<16xf32>,
    %swap3A_69 = vector.shape_cast %swap3A_68 : vector<16xf32> to vector<16xf32>
    %swap3A_70 = vector.shape_cast %broadcast_in_dim3A_66 : vector<16xf32> to vector<16xf32>
    tpu.vector_store %arg5[%swap3A_67], %swap3A_70 {strides = array<i32>} : memref<128xf32, #tpu.memory_space<vmem>>, vector<16xf32>,
    %broadcast_in_dim3A_71 = arith.constant 1.000000e+00 : f32
    %broadcast_in_dim3A_72 = vector.broadcast %broadcast_in_dim3A_71 : f32 to vector<16xf32>
    %swap3A_73 = arith.constant 32 : index
    %swap3A_74 = tpu.vector_load %arg5[%swap3A_73] {strides = array<i32>} : memref<128xf32, #tpu.memory_space<vmem>>, vector<16xf32>,
    %swap3A_75 = vector.shape_cast %swap3A_74 : vector<16xf32> to vector<16xf32>
    %swap3A_76 = vector.shape_cast %broadcast_in_dim3A_72 : vector<16xf32> to vector<16xf32>
    tpu.vector_store %arg5[%swap3A_73], %swap3A_76 {strides = array<i32>} : memref<128xf32, #tpu.memory_space<vmem>>, vector<16xf32>,
    %broadcast_in_dim3A_77 = arith.constant 1.000000e+00 : f32
    %broadcast_in_dim3A_78 = vector.broadcast %broadcast_in_dim3A_77 : f32 to vector<16xf32>
    %swap3A_79 = arith.constant 48 : index
    %swap3A_80 = tpu.vector_load %arg5[%swap3A_79] {strides = array<i32>} : memref<128xf32, #tpu.memory_space<vmem>>, vector<16xf32>,
    %swap3A_81 = vector.shape_cast %swap3A_80 : vector<16xf32> to vector<16xf32>
    %swap3A_82 = vector.shape_cast %broadcast_in_dim3A_78 : vector<16xf32> to vector<16xf32>
    tpu.vector_store %arg5[%swap3A_79], %swap3A_82 {strides = array<i32>} : memref<128xf32, #tpu.memory_space<vmem>>, vector<16xf32>,
    %broadcast_in_dim3A_83 = arith.constant 1.000000e+00 : f32
    %broadcast_in_dim3A_84 = vector.broadcast %broadcast_in_dim3A_83 : f32 to vector<16xf32>
    %swap3A_85 = arith.constant 64 : index
    %swap3A_86 = tpu.vector_load %arg5[%swap3A_85] {strides = array<i32>} : memref<128xf32, #tpu.memory_space<vmem>>, vector<16xf32>,
    %swap3A_87 = vector.shape_cast %swap3A_86 : vector<16xf32> to vector<16xf32>
    %swap3A_88 = vector.shape_cast %broadcast_in_dim3A_84 : vector<16xf32> to vector<16xf32>
    tpu.vector_store %arg5[%swap3A_85], %swap3A_88 {strides = array<i32>} : memref<128xf32, #tpu.memory_space<vmem>>, vector<16xf32>,
    %broadcast_in_dim3A_89 = arith.constant 1.000000e+00 : f32
    %broadcast_in_dim3A_90 = vector.broadcast %broadcast_in_dim3A_89 : f32 to vector<16xf32>
    %swap3A_91 = arith.constant 80 : index
    %swap3A_92 = tpu.vector_load %arg5[%swap3A_91] {strides = array<i32>} : memref<128xf32, #tpu.memory_space<vmem>>, vector<16xf32>,
    %swap3A_93 = vector.shape_cast %swap3A_92 : vector<16xf32> to vector<16xf32>
    %swap3A_94 = vector.shape_cast %broadcast_in_dim3A_90 : vector<16xf32> to vector<16xf32>
    tpu.vector_store %arg5[%swap3A_91], %swap3A_94 {strides = array<i32>} : memref<128xf32, #tpu.memory_space<vmem>>, vector<16xf32>,
    %broadcast_in_dim3A_95 = arith.constant 1.000000e+00 : f32
    %broadcast_in_dim3A_96 = vector.broadcast %broadcast_in_dim3A_95 : f32 to vector<16xf32>
    %swap3A_97 = arith.constant 96 : index
    %swap3A_98 = tpu.vector_load %arg5[%swap3A_97] {strides = array<i32>} : memref<128xf32, #tpu.memory_space<vmem>>, vector<16xf32>,
    %swap3A_99 = vector.shape_cast %swap3A_98 : vector<16xf32> to vector<16xf32>
    %swap3A_100 = vector.shape_cast %broadcast_in_dim3A_96 : vector<16xf32> to vector<16xf32>
    tpu.vector_store %arg5[%swap3A_97], %swap3A_100 {strides = array<i32>} : memref<128xf32, #tpu.memory_space<vmem>>, vector<16xf32>,
    %broadcast_in_dim3A_101 = arith.constant 1.000000e+00 : f32
    %broadcast_in_dim3A_102 = vector.broadcast %broadcast_in_dim3A_101 : f32 to vector<16xf32>
    %swap3A_103 = arith.constant 112 : index
    %swap3A_104 = tpu.vector_load %arg5[%swap3A_103] {strides = array<i32>} : memref<128xf32, #tpu.memory_space<vmem>>, vector<16xf32>,
    %swap3A_105 = vector.shape_cast %swap3A_104 : vector<16xf32> to vector<16xf32>
    %swap3A_106 = vector.shape_cast %broadcast_in_dim3A_102 : vector<16xf32> to vector<16xf32>
    tpu.vector_store %arg5[%swap3A_103], %swap3A_106 {strides = array<i32>} : memref<128xf32, #tpu.memory_space<vmem>>, vector<16xf32>,
    %mul3A_107 = arith.constant 80 : i32
    %mul3A_108 = arith.muli %add3A, %mul3A_107 : i32
    "tpu.region"() ({
      %run_scoped3A = tpu.sem_alloc : memref<!tpu.dma_semaphore, #tpu.memory_space<semaphore_mem>>
      %dma_start3A = arith.constant 0 : i32
      %dma_start3A_123 = tpu.memref_slice %arg2[%mul3A_108, %dma_start3A] : memref<2560x128xi32, #tpu.memory_space<hbm>> -> memref<80x128xi32, #tpu.memory_space<hbm>>
      %dma_start3A_124 = arith.constant 0 : i32
      %dma_start3A_125 = tpu.memref_slice %arg2[%mul3A_108, %dma_start3A_124] : memref<2560x128xi32, #tpu.memory_space<hbm>> -> memref<80x128xi32, #tpu.memory_space<hbm>>
      tpu.enqueue_dma source(%dma_start3A_125 : memref<80x128xi32, #tpu.memory_space<hbm>>) target(%arg4 : memref<80x128xi32, #tpu.memory_space<vmem>>) target_semaphore(%run_scoped3A : memref<!tpu.dma_semaphore, #tpu.memory_space<semaphore_mem>>)
      %dma_wait3A_126 = arith.constant 0 : i32
      %dma_wait3A_127 = tpu.memref_slice %arg2[%mul3A_108, %dma_wait3A_126] : memref<2560x128xi32, #tpu.memory_space<hbm>> -> memref<80x128xi32, #tpu.memory_space<hbm>>
      %dma_wait3A_128 = arith.constant 0 : i32
      %dma_wait3A_129 = tpu.memref_slice %arg2[%mul3A_108, %dma_wait3A_128] : memref<2560x128xi32, #tpu.memory_space<hbm>> -> memref<80x128xi32, #tpu.memory_space<hbm>>
      tpu.wait_dma2 semaphore(%run_scoped3A : memref<!tpu.dma_semaphore, #tpu.memory_space<semaphore_mem>>) src(%dma_wait3A_129 : memref<80x128xi32, #tpu.memory_space<hbm>>) dst(%arg4 : memref<80x128xi32, #tpu.memory_space<vmem>>)
      tpu.yield
    }) : () -> ()
    %barrier3A = arith.constant 0 : index
    tpu.barrier barrier_id(%barrier3A)
    %scan3A = arith.constant 0 : i32
    %scan3A_109 = arith.constant 0 : i32
    %scan3A_110 = arith.constant 80 : i32
    %scan3A_111 = arith.addi %scan3A_109, %scan3A_110 : i32
    %scan3A_112 = arith.constant 1 : i32
    scf.for %scan3A_123 = %scan3A_109 to %scan3A_111 step %scan3A_112  : i32 {
      %dma_start3A = arith.constant 0 : i32
      %dma_start3A_124 = tpu.memref_slice %arg4[%scan3A_123, %dma_start3A] : memref<80x128xi32, #tpu.memory_space<vmem>> -> memref<1x128xi32, #tpu.memory_space<vmem>>
      %dma_start3A_125 = tpu.memref_squeeze %dma_start3A_124 : memref<1x128xi32, #tpu.memory_space<vmem>> -> memref<128xi32, #tpu.memory_space<vmem>>
      %dma_start3A_126 = arith.constant 0 : i32
      %dma_start3A_127 = tpu.memref_slice %arg6[%dma_start3A_126] : memref<10240xf32, #tpu.memory_space<vmem_shared>> -> memref<10240xf32, #tpu.memory_space<vmem_shared>>
      tpu.enqueue_indirect_dma source(%arg5 : memref<128xf32, #tpu.memory_space<vmem>>) target(%dma_start3A_127 : memref<10240xf32, #tpu.memory_space<vmem_shared>>) offsets(%dma_start3A_125 : memref<128xi32, #tpu.memory_space<vmem>>) semaphore(%arg7 : memref<!tpu.dma_semaphore, #tpu.memory_space<semaphore_mem>>) {add = true}
      %gt3A = arith.constant 0 : i32
      %gt3A_128 = arith.cmpi sgt, %scan3A_123, %gt3A : i32
      %convert_element_type3A = arith.extui %gt3A_128 : i1 to i32
      %cond3A = arith.constant 0 : i32
      %cond3A_129 = arith.cmpi ne, %convert_element_type3A, %cond3A : i32
      scf.if %cond3A_129 {
        %dma_wait3A_130 = arith.constant 0 : i32
        %dma_wait3A_131 = arith.constant 0 : i32
        %dma_wait3A_132 = tpu.memref_slice %arg4[%dma_wait3A_130, %dma_wait3A_131] : memref<80x128xi32, #tpu.memory_space<vmem>> -> memref<1x128xi32, #tpu.memory_space<vmem>>
        %dma_wait3A_133 = tpu.memref_squeeze %dma_wait3A_132 : memref<1x128xi32, #tpu.memory_space<vmem>> -> memref<128xi32, #tpu.memory_space<vmem>>
        %dma_wait3A_134 = arith.constant 0 : i32
        %dma_wait3A_135 = tpu.memref_slice %arg6[%dma_wait3A_134] : memref<10240xf32, #tpu.memory_space<vmem_shared>> -> memref<10240xf32, #tpu.memory_space<vmem_shared>>
        tpu.wait_indirect_dma semaphore(%arg7 : memref<!tpu.dma_semaphore, #tpu.memory_space<semaphore_mem>>) src(%arg5 : memref<128xf32, #tpu.memory_space<vmem>>) dst(%dma_wait3A_135 : memref<10240xf32, #tpu.memory_space<vmem_shared>>)
      } else {
      }
    }
    %scan3A_113 = arith.constant 80 : i32
    %dma_wait3A = arith.constant 0 : i32
    %dma_wait3A_114 = arith.constant 0 : i32
    %dma_wait3A_115 = tpu.memref_slice %arg4[%dma_wait3A, %dma_wait3A_114] : memref<80x128xi32, #tpu.memory_space<vmem>> -> memref<1x128xi32, #tpu.memory_space<vmem>>
    %dma_wait3A_116 = tpu.memref_squeeze %dma_wait3A_115 : memref<1x128xi32, #tpu.memory_space<vmem>> -> memref<128xi32, #tpu.memory_space<vmem>>
    %dma_wait3A_117 = arith.constant 0 : i32
    %dma_wait3A_118 = tpu.memref_slice %arg6[%dma_wait3A_117] : memref<10240xf32, #tpu.memory_space<vmem_shared>> -> memref<10240xf32, #tpu.memory_space<vmem_shared>>
    tpu.wait_indirect_dma semaphore(%arg7 : memref<!tpu.dma_semaphore, #tpu.memory_space<semaphore_mem>>) src(%arg5 : memref<128xf32, #tpu.memory_space<vmem>>) dst(%dma_wait3A_118 : memref<10240xf32, #tpu.memory_space<vmem_shared>>)
    %barrier3A_119 = arith.constant 0 : index
    tpu.barrier barrier_id(%barrier3A_119)
    %mul3A_120 = arith.constant 10240 : i32
    %mul3A_121 = arith.muli %arg0, %mul3A_120 : i32
    %add3A_122 = arith.addi %mul3A_121, %mul3A_2 : i32
    "tpu.region"() ({
      %run_scoped3A = tpu.sem_alloc : memref<!tpu.dma_semaphore, #tpu.memory_space<semaphore_mem>>
      %dma_start3A = tpu.memref_slice %arg3[%add3A_122] : memref<20480xf32, #tpu.memory_space<hbm>> -> memref<640xf32, #tpu.memory_space<hbm>>
      %dma_start3A_123 = tpu.memref_slice %arg6[%mul3A_2] : memref<10240xf32, #tpu.memory_space<vmem_shared>> -> memref<640xf32, #tpu.memory_space<vmem_shared>>
      tpu.enqueue_dma source(%dma_start3A_123 : memref<640xf32, #tpu.memory_space<vmem_shared>>) target(%dma_start3A : memref<640xf32, #tpu.memory_space<hbm>>) target_semaphore(%run_scoped3A : memref<!tpu.dma_semaphore, #tpu.memory_space<semaphore_mem>>)
      %dma_wait3A_124 = tpu.memref_slice %arg3[%add3A_122] : memref<20480xf32, #tpu.memory_space<hbm>> -> memref<640xf32, #tpu.memory_space<hbm>>
      %dma_wait3A_125 = tpu.memref_slice %arg6[%mul3A_2] : memref<10240xf32, #tpu.memory_space<vmem_shared>> -> memref<640xf32, #tpu.memory_space<vmem_shared>>
      tpu.wait_dma2 semaphore(%run_scoped3A : memref<!tpu.dma_semaphore, #tpu.memory_space<semaphore_mem>>) src(%dma_wait3A_125 : memref<640xf32, #tpu.memory_space<vmem_shared>>) dst(%dma_wait3A_124 : memref<640xf32, #tpu.memory_space<hbm>>)
      tpu.yield
    }) : () -> ()
    return
  }
}

#map = affine_map<(d0, d1) -> (0, 0)>
#map1 = affine_map<(d0, d1) -> (0)>
module attributes {stable_mosaic.version = 14 : i64} {
  func.func @_agg_body(%arg0: i32, %arg1: i32, %arg2: memref<10240x128xf32, #tpu.memory_space<hbm>>, %arg3: memref<327680xi32, #tpu.memory_space<hbm>>, %arg4: memref<327680xi32, #tpu.memory_space<hbm>>, %arg5: memref<20480x128xf32, #tpu.memory_space<hbm>>, %arg6: memref<128xi32, #tpu.memory_space<vmem>>, %arg7: memref<128xi32, #tpu.memory_space<vmem>>, %arg8: memref<128xi32, #tpu.memory_space<vmem>>, %arg9: memref<128xi32, #tpu.memory_space<vmem>>, %arg10: memref<128x128xf32, #tpu.memory_space<vmem>>, %arg11: memref<128x128xf32, #tpu.memory_space<vmem>>, %arg12: memref<10240x128xf32, #tpu.memory_space<vmem_shared>>, %arg13: memref<!tpu.dma_semaphore, #tpu.memory_space<semaphore_mem>>, %arg14: memref<!tpu.dma_semaphore, #tpu.memory_space<semaphore_mem>>, %arg15: memref<!tpu.dma_semaphore, #tpu.memory_space<semaphore_mem>>, %arg16: memref<!tpu.dma_semaphore, #tpu.memory_space<semaphore_mem>>, %arg17: memref<!tpu.dma_semaphore, #tpu.memory_space<semaphore_mem>>, %arg18: memref<!tpu.dma_semaphore, #tpu.memory_space<semaphore_mem>>, %arg19: memref<!tpu.dma_semaphore, #tpu.memory_space<semaphore_mem>>, %arg20: memref<!tpu.dma_semaphore, #tpu.memory_space<semaphore_mem>>) attributes {dimension_semantics = [#tpu.dimension_semantics<core_parallel>, #tpu.dimension_semantics<subcore_parallel>], iteration_bounds = array<i64: 2, 16>, scalar_prefetch = 0 : i64, scratch_operands = 15 : i64, tpu.core_type = #tpu.core_type<sc_vector_subcore>, window_params = [{transform_indices = #map}, {transform_indices = #map1}, {transform_indices = #map1}, {transform_indices = #map}]} {
    %mul3A = arith.constant 2 : i32
    %mul3A_0 = arith.muli %arg1, %mul3A : i32
    %add3A = arith.addi %mul3A_0, %arg0 : i32
    %mul3A_1 = arith.constant 640 : i32
    %mul3A_2 = arith.muli %arg1, %mul3A_1 : i32
    %mul3A_3 = arith.constant 80 : i32
    %mul3A_4 = arith.muli %add3A, %mul3A_3 : i32
    %mul3A_5 = arith.constant 128 : i32
    %mul3A_6 = arith.muli %mul3A_4, %mul3A_5 : i32
    %add3A_7 = arith.constant 0 : i32
    %add3A_8 = arith.addi %mul3A_6, %add3A_7 : i32
    %dma_start3A = tpu.memref_slice %arg3[%add3A_8] : memref<327680xi32, #tpu.memory_space<hbm>> -> memref<128xi32, #tpu.memory_space<hbm>>
    %dma_start3A_9 = tpu.memref_slice %arg3[%add3A_8] : memref<327680xi32, #tpu.memory_space<hbm>> -> memref<128xi32, #tpu.memory_space<hbm>>
    tpu.enqueue_dma source(%dma_start3A_9 : memref<128xi32, #tpu.memory_space<hbm>>) target(%arg6 : memref<128xi32, #tpu.memory_space<vmem>>) target_semaphore(%arg13 : memref<!tpu.dma_semaphore, #tpu.memory_space<semaphore_mem>>)
    %add3A_10 = arith.constant 0 : i32
    %add3A_11 = arith.addi %mul3A_6, %add3A_10 : i32
    %dma_start3A_12 = tpu.memref_slice %arg4[%add3A_11] : memref<327680xi32, #tpu.memory_space<hbm>> -> memref<128xi32, #tpu.memory_space<hbm>>
    %dma_start3A_13 = tpu.memref_slice %arg4[%add3A_11] : memref<327680xi32, #tpu.memory_space<hbm>> -> memref<128xi32, #tpu.memory_space<hbm>>
    tpu.enqueue_dma source(%dma_start3A_13 : memref<128xi32, #tpu.memory_space<hbm>>) target(%arg8 : memref<128xi32, #tpu.memory_space<vmem>>) target_semaphore(%arg15 : memref<!tpu.dma_semaphore, #tpu.memory_space<semaphore_mem>>)
    %add3A_14 = arith.constant 128 : i32
    %add3A_15 = arith.addi %mul3A_6, %add3A_14 : i32
    %dma_start3A_16 = tpu.memref_slice %arg3[%add3A_15] : memref<327680xi32, #tpu.memory_space<hbm>> -> memref<128xi32, #tpu.memory_space<hbm>>
    %dma_start3A_17 = tpu.memref_slice %arg3[%add3A_15] : memref<327680xi32, #tpu.memory_space<hbm>> -> memref<128xi32, #tpu.memory_space<hbm>>
    tpu.enqueue_dma source(%dma_start3A_17 : memref<128xi32, #tpu.memory_space<hbm>>) target(%arg7 : memref<128xi32, #tpu.memory_space<vmem>>) target_semaphore(%arg14 : memref<!tpu.dma_semaphore, #tpu.memory_space<semaphore_mem>>)
    "tpu.region"() ({
      %run_scoped3A = tpu.sem_alloc : memref<!tpu.dma_semaphore, #tpu.memory_space<semaphore_mem>>
      %dma_start3A_36 = arith.constant 0 : i32
      %dma_start3A_37 = tpu.memref_slice %arg12[%mul3A_2, %dma_start3A_36] : memref<10240x128xf32, #tpu.memory_space<vmem_shared>> -> memref<640x128xf32, #tpu.memory_space<vmem_shared>>
      %dma_start3A_38 = arith.constant 0 : i32
      %dma_start3A_39 = tpu.memref_slice %arg2[%mul3A_2, %dma_start3A_38] : memref<10240x128xf32, #tpu.memory_space<hbm>> -> memref<640x128xf32, #tpu.memory_space<hbm>>
      tpu.enqueue_dma source(%dma_start3A_39 : memref<640x128xf32, #tpu.memory_space<hbm>>) target(%dma_start3A_37 : memref<640x128xf32, #tpu.memory_space<vmem_shared>>) target_semaphore(%run_scoped3A : memref<!tpu.dma_semaphore, #tpu.memory_space<semaphore_mem>>)
      %dma_wait3A_40 = arith.constant 0 : i32
      %dma_wait3A_41 = tpu.memref_slice %arg12[%mul3A_2, %dma_wait3A_40] : memref<10240x128xf32, #tpu.memory_space<vmem_shared>> -> memref<640x128xf32, #tpu.memory_space<vmem_shared>>
      %dma_wait3A_42 = arith.constant 0 : i32
      %dma_wait3A_43 = tpu.memref_slice %arg2[%mul3A_2, %dma_wait3A_42] : memref<10240x128xf32, #tpu.memory_space<hbm>> -> memref<640x128xf32, #tpu.memory_space<hbm>>
      tpu.wait_dma2 semaphore(%run_scoped3A : memref<!tpu.dma_semaphore, #tpu.memory_space<semaphore_mem>>) src(%dma_wait3A_43 : memref<640x128xf32, #tpu.memory_space<hbm>>) dst(%dma_wait3A_41 : memref<640x128xf32, #tpu.memory_space<vmem_shared>>)
      tpu.yield
    }) : () -> ()
    %dma_wait3A = arith.constant 0 : i32
    %dma_wait3A_18 = tpu.memref_slice %arg3[%dma_wait3A] : memref<327680xi32, #tpu.memory_space<hbm>> -> memref<128xi32, #tpu.memory_space<hbm>>
    %dma_wait3A_19 = arith.constant 0 : i32
    %dma_wait3A_20 = tpu.memref_slice %arg3[%dma_wait3A_19] : memref<327680xi32, #tpu.memory_space<hbm>> -> memref<128xi32, #tpu.memory_space<hbm>>
    tpu.wait_dma2 semaphore(%arg13 : memref<!tpu.dma_semaphore, #tpu.memory_space<semaphore_mem>>) src(%dma_wait3A_20 : memref<128xi32, #tpu.memory_space<hbm>>) dst(%arg6 : memref<128xi32, #tpu.memory_space<vmem>>)
    %dma_start3A_21 = arith.constant 0 : i32
    %dma_start3A_22 = arith.constant 0 : i32
    %dma_start3A_23 = tpu.memref_slice %arg2[%dma_start3A_21, %dma_start3A_22] : memref<10240x128xf32, #tpu.memory_space<hbm>> -> memref<10240x128xf32, #tpu.memory_space<hbm>>
    tpu.enqueue_indirect_dma source(%dma_start3A_23 : memref<10240x128xf32, #tpu.memory_space<hbm>>) target(%arg10 : memref<128x128xf32, #tpu.memory_space<vmem>>) offsets(%arg6 : memref<128xi32, #tpu.memory_space<vmem>>) semaphore(%arg17 : memref<!tpu.dma_semaphore, #tpu.memory_space<semaphore_mem>>)
    %barrier3A = arith.constant 0 : index
    tpu.barrier barrier_id(%barrier3A)
    %scan3A = arith.constant 0 : i32
    %scan3A_24 = arith.constant 0 : i32
    %scan3A_25 = arith.constant 40 : i32
    %scan3A_26 = arith.addi %scan3A_24, %scan3A_25 : i32
    %scan3A_27 = arith.constant 1 : i32
    scf.for %scan3A_36 = %scan3A_24 to %scan3A_26 step %scan3A_27  : i32 {
      %mul3A_37 = arith.constant 2 : i32
      %mul3A_38 = arith.muli %mul3A_37, %scan3A_36 : i32
      %add3A_39 = arith.constant 1 : i32
      %add3A_40 = arith.addi %scan3A_36, %add3A_39 : i32
      %lt3A = arith.constant 40 : i32
      %lt3A_41 = arith.cmpi slt, %add3A_40, %lt3A : i32
      %dma_wait3A_42 = arith.constant 0 : i32
      %dma_wait3A_43 = arith.constant 0 : i32
      %dma_wait3A_44 = tpu.memref_slice %arg2[%dma_wait3A_42, %dma_wait3A_43] : memref<10240x128xf32, #tpu.memory_space<hbm>> -> memref<10240x128xf32, #tpu.memory_space<hbm>>
      tpu.wait_indirect_dma semaphore(%arg17 : memref<!tpu.dma_semaphore, #tpu.memory_space<semaphore_mem>>) src(%dma_wait3A_44 : memref<10240x128xf32, #tpu.memory_space<hbm>>) dst(%arg10 : memref<128x128xf32, #tpu.memory_space<vmem>>)
      %dma_wait3A_45 = arith.constant 0 : i32
      %dma_wait3A_46 = tpu.memref_slice %arg4[%dma_wait3A_45] : memref<327680xi32, #tpu.memory_space<hbm>> -> memref<128xi32, #tpu.memory_space<hbm>>
      %dma_wait3A_47 = arith.constant 0 : i32
      %dma_wait3A_48 = tpu.memref_slice %arg4[%dma_wait3A_47] : memref<327680xi32, #tpu.memory_space<hbm>> -> memref<128xi32, #tpu.memory_space<hbm>>
      tpu.wait_dma2 semaphore(%arg15 : memref<!tpu.dma_semaphore, #tpu.memory_space<semaphore_mem>>) src(%dma_wait3A_48 : memref<128xi32, #tpu.memory_space<hbm>>) dst(%arg8 : memref<128xi32, #tpu.memory_space<vmem>>)
      %dma_start3A_49 = arith.constant 0 : i32
      %dma_start3A_50 = arith.constant 0 : i32
      %dma_start3A_51 = tpu.memref_slice %arg12[%dma_start3A_49, %dma_start3A_50] : memref<10240x128xf32, #tpu.memory_space<vmem_shared>> -> memref<10240x128xf32, #tpu.memory_space<vmem_shared>>
      tpu.enqueue_indirect_dma source(%arg10 : memref<128x128xf32, #tpu.memory_space<vmem>>) target(%dma_start3A_51 : memref<10240x128xf32, #tpu.memory_space<vmem_shared>>) offsets(%arg8 : memref<128xi32, #tpu.memory_space<vmem>>) semaphore(%arg19 : memref<!tpu.dma_semaphore, #tpu.memory_space<semaphore_mem>>) {add = true}
      %gt3A = arith.constant 0 : i32
      %gt3A_52 = arith.cmpi sgt, %scan3A_36, %gt3A : i32
      %convert_element_type3A = arith.extui %gt3A_52 : i1 to i32
      %cond3A = arith.constant 0 : i32
      %cond3A_53 = arith.cmpi ne, %convert_element_type3A, %cond3A : i32
      scf.if %cond3A_53 {
        %dma_wait3A_87 = arith.constant 0 : i32
        %dma_wait3A_88 = arith.constant 0 : i32
        %dma_wait3A_89 = tpu.memref_slice %arg12[%dma_wait3A_87, %dma_wait3A_88] : memref<10240x128xf32, #tpu.memory_space<vmem_shared>> -> memref<10240x128xf32, #tpu.memory_space<vmem_shared>>
        tpu.wait_indirect_dma semaphore(%arg20 : memref<!tpu.dma_semaphore, #tpu.memory_space<semaphore_mem>>) src(%arg11 : memref<128x128xf32, #tpu.memory_space<vmem>>) dst(%dma_wait3A_89 : memref<10240x128xf32, #tpu.memory_space<vmem_shared>>)
      } else {
      }
      %add3A_54 = arith.constant 1 : i32
      %add3A_55 = arith.addi %mul3A_38, %add3A_54 : i32
      %mul3A_56 = arith.constant 128 : i32
      %mul3A_57 = arith.muli %add3A_55, %mul3A_56 : i32
      %add3A_58 = arith.addi %mul3A_6, %mul3A_57 : i32
      %dma_start3A_59 = tpu.memref_slice %arg4[%add3A_58] : memref<327680xi32, #tpu.memory_space<hbm>> -> memref<128xi32, #tpu.memory_space<hbm>>
      %dma_start3A_60 = tpu.memref_slice %arg4[%add3A_58] : memref<327680xi32, #tpu.memory_space<hbm>> -> memref<128xi32, #tpu.memory_space<hbm>>
      tpu.enqueue_dma source(%dma_start3A_60 : memref<128xi32, #tpu.memory_space<hbm>>) target(%arg9 : memref<128xi32, #tpu.memory_space<vmem>>) target_semaphore(%arg16 : memref<!tpu.dma_semaphore, #tpu.memory_space<semaphore_mem>>)
      %dma_wait3A_61 = arith.constant 0 : i32
      %dma_wait3A_62 = tpu.memref_slice %arg3[%dma_wait3A_61] : memref<327680xi32, #tpu.memory_space<hbm>> -> memref<128xi32, #tpu.memory_space<hbm>>
      %dma_wait3A_63 = arith.constant 0 : i32
      %dma_wait3A_64 = tpu.memref_slice %arg3[%dma_wait3A_63] : memref<327680xi32, #tpu.memory_space<hbm>> -> memref<128xi32, #tpu.memory_space<hbm>>
      tpu.wait_dma2 semaphore(%arg14 : memref<!tpu.dma_semaphore, #tpu.memory_space<semaphore_mem>>) src(%dma_wait3A_64 : memref<128xi32, #tpu.memory_space<hbm>>) dst(%arg7 : memref<128xi32, #tpu.memory_space<vmem>>)
      %dma_start3A_65 = arith.constant 0 : i32
      %dma_start3A_66 = arith.constant 0 : i32
      %dma_start3A_67 = tpu.memref_slice %arg2[%dma_start3A_65, %dma_start3A_66] : memref<10240x128xf32, #tpu.memory_space<hbm>> -> memref<10240x128xf32, #tpu.memory_space<hbm>>
      tpu.enqueue_indirect_dma source(%dma_start3A_67 : memref<10240x128xf32, #tpu.memory_space<hbm>>) target(%arg11 : memref<128x128xf32, #tpu.memory_space<vmem>>) offsets(%arg7 : memref<128xi32, #tpu.memory_space<vmem>>) semaphore(%arg18 : memref<!tpu.dma_semaphore, #tpu.memory_space<semaphore_mem>>)
      %convert_element_type3A_68 = arith.extui %lt3A_41 : i1 to i32
      %cond3A_69 = arith.constant 0 : i32
      %cond3A_70 = arith.cmpi ne, %convert_element_type3A_68, %cond3A_69 : i32
      scf.if %cond3A_70 {
        %add3A_87 = arith.constant 2 : i32
        %add3A_88 = arith.addi %mul3A_38, %add3A_87 : i32
        %mul3A_89 = arith.constant 128 : i32
        %mul3A_90 = arith.muli %add3A_88, %mul3A_89 : i32
        %add3A_91 = arith.addi %mul3A_6, %mul3A_90 : i32
        %dma_start3A_92 = tpu.memref_slice %arg3[%add3A_91] : memref<327680xi32, #tpu.memory_space<hbm>> -> memref<128xi32, #tpu.memory_space<hbm>>
        %dma_start3A_93 = tpu.memref_slice %arg3[%add3A_91] : memref<327680xi32, #tpu.memory_space<hbm>> -> memref<128xi32, #tpu.memory_space<hbm>>
        tpu.enqueue_dma source(%dma_start3A_93 : memref<128xi32, #tpu.memory_space<hbm>>) target(%arg6 : memref<128xi32, #tpu.memory_space<vmem>>) target_semaphore(%arg13 : memref<!tpu.dma_semaphore, #tpu.memory_space<semaphore_mem>>)
      } else {
      }
      %dma_wait3A_71 = arith.constant 0 : i32
      %dma_wait3A_72 = arith.constant 0 : i32
      %dma_wait3A_73 = tpu.memref_slice %arg2[%dma_wait3A_71, %dma_wait3A_72] : memref<10240x128xf32, #tpu.memory_space<hbm>> -> memref<10240x128xf32, #tpu.memory_space<hbm>>
      tpu.wait_indirect_dma semaphore(%arg18 : memref<!tpu.dma_semaphore, #tpu.memory_space<semaphore_mem>>) src(%dma_wait3A_73 : memref<10240x128xf32, #tpu.memory_space<hbm>>) dst(%arg11 : memref<128x128xf32, #tpu.memory_space<vmem>>)
      %dma_wait3A_74 = arith.constant 0 : i32
      %dma_wait3A_75 = tpu.memref_slice %arg4[%dma_wait3A_74] : memref<327680xi32, #tpu.memory_space<hbm>> -> memref<128xi32, #tpu.memory_space<hbm>>
      %dma_wait3A_76 = arith.constant 0 : i32
      %dma_wait3A_77 = tpu.memref_slice %arg4[%dma_wait3A_76] : memref<327680xi32, #tpu.memory_space<hbm>> -> memref<128xi32, #tpu.memory_space<hbm>>
      tpu.wait_dma2 semaphore(%arg16 : memref<!tpu.dma_semaphore, #tpu.memory_space<semaphore_mem>>) src(%dma_wait3A_77 : memref<128xi32, #tpu.memory_space<hbm>>) dst(%arg9 : memref<128xi32, #tpu.memory_space<vmem>>)
      %dma_start3A_78 = arith.constant 0 : i32
      %dma_start3A_79 = arith.constant 0 : i32
      %dma_start3A_80 = tpu.memref_slice %arg12[%dma_start3A_78, %dma_start3A_79] : memref<10240x128xf32, #tpu.memory_space<vmem_shared>> -> memref<10240x128xf32, #tpu.memory_space<vmem_shared>>
      tpu.enqueue_indirect_dma source(%arg11 : memref<128x128xf32, #tpu.memory_space<vmem>>) target(%dma_start3A_80 : memref<10240x128xf32, #tpu.memory_space<vmem_shared>>) offsets(%arg9 : memref<128xi32, #tpu.memory_space<vmem>>) semaphore(%arg20 : memref<!tpu.dma_semaphore, #tpu.memory_space<semaphore_mem>>) {add = true}
      %dma_wait3A_81 = arith.constant 0 : i32
      %dma_wait3A_82 = arith.constant 0 : i32
      %dma_wait3A_83 = tpu.memref_slice %arg12[%dma_wait3A_81, %dma_wait3A_82] : memref<10240x128xf32, #tpu.memory_space<vmem_shared>> -> memref<10240x128xf32, #tpu.memory_space<vmem_shared>>
      tpu.wait_indirect_dma semaphore(%arg19 : memref<!tpu.dma_semaphore, #tpu.memory_space<semaphore_mem>>) src(%arg10 : memref<128x128xf32, #tpu.memory_space<vmem>>) dst(%dma_wait3A_83 : memref<10240x128xf32, #tpu.memory_space<vmem_shared>>)
      %convert_element_type3A_84 = arith.extui %lt3A_41 : i1 to i32
      %cond3A_85 = arith.constant 0 : i32
      %cond3A_86 = arith.cmpi ne, %convert_element_type3A_84, %cond3A_85 : i32
      scf.if %cond3A_86 {
        %add3A_87 = arith.constant 2 : i32
        %add3A_88 = arith.addi %mul3A_38, %add3A_87 : i32
        %mul3A_89 = arith.constant 128 : i32
        %mul3A_90 = arith.muli %add3A_88, %mul3A_89 : i32
        %add3A_91 = arith.addi %mul3A_6, %mul3A_90 : i32
        %dma_start3A_92 = tpu.memref_slice %arg4[%add3A_91] : memref<327680xi32, #tpu.memory_space<hbm>> -> memref<128xi32, #tpu.memory_space<hbm>>
        %dma_start3A_93 = tpu.memref_slice %arg4[%add3A_91] : memref<327680xi32, #tpu.memory_space<hbm>> -> memref<128xi32, #tpu.memory_space<hbm>>
        tpu.enqueue_dma source(%dma_start3A_93 : memref<128xi32, #tpu.memory_space<hbm>>) target(%arg8 : memref<128xi32, #tpu.memory_space<vmem>>) target_semaphore(%arg15 : memref<!tpu.dma_semaphore, #tpu.memory_space<semaphore_mem>>)
        %dma_wait3A_94 = arith.constant 0 : i32
        %dma_wait3A_95 = tpu.memref_slice %arg3[%dma_wait3A_94] : memref<327680xi32, #tpu.memory_space<hbm>> -> memref<128xi32, #tpu.memory_space<hbm>>
        %dma_wait3A_96 = arith.constant 0 : i32
        %dma_wait3A_97 = tpu.memref_slice %arg3[%dma_wait3A_96] : memref<327680xi32, #tpu.memory_space<hbm>> -> memref<128xi32, #tpu.memory_space<hbm>>
        tpu.wait_dma2 semaphore(%arg13 : memref<!tpu.dma_semaphore, #tpu.memory_space<semaphore_mem>>) src(%dma_wait3A_97 : memref<128xi32, #tpu.memory_space<hbm>>) dst(%arg6 : memref<128xi32, #tpu.memory_space<vmem>>)
        %dma_start3A_98 = arith.constant 0 : i32
        %dma_start3A_99 = arith.constant 0 : i32
        %dma_start3A_100 = tpu.memref_slice %arg2[%dma_start3A_98, %dma_start3A_99] : memref<10240x128xf32, #tpu.memory_space<hbm>> -> memref<10240x128xf32, #tpu.memory_space<hbm>>
        tpu.enqueue_indirect_dma source(%dma_start3A_100 : memref<10240x128xf32, #tpu.memory_space<hbm>>) target(%arg10 : memref<128x128xf32, #tpu.memory_space<vmem>>) offsets(%arg6 : memref<128xi32, #tpu.memory_space<vmem>>) semaphore(%arg17 : memref<!tpu.dma_semaphore, #tpu.memory_space<semaphore_mem>>)
        %add3A_101 = arith.constant 3 : i32
        %add3A_102 = arith.addi %mul3A_38, %add3A_101 : i32
        %mul3A_103 = arith.constant 128 : i32
        %mul3A_104 = arith.muli %add3A_102, %mul3A_103 : i32
        %add3A_105 = arith.addi %mul3A_6, %mul3A_104 : i32
        %dma_start3A_106 = tpu.memref_slice %arg3[%add3A_105] : memref<327680xi32, #tpu.memory_space<hbm>> -> memref<128xi32, #tpu.memory_space<hbm>>
        %dma_start3A_107 = tpu.memref_slice %arg3[%add3A_105] : memref<327680xi32, #tpu.memory_space<hbm>> -> memref<128xi32, #tpu.memory_space<hbm>>
        tpu.enqueue_dma source(%dma_start3A_107 : memref<128xi32, #tpu.memory_space<hbm>>) target(%arg7 : memref<128xi32, #tpu.memory_space<vmem>>) target_semaphore(%arg14 : memref<!tpu.dma_semaphore, #tpu.memory_space<semaphore_mem>>)
      } else {
      }
    }
    %scan3A_28 = arith.constant 40 : i32
    %dma_wait3A_29 = arith.constant 0 : i32
    %dma_wait3A_30 = arith.constant 0 : i32
    %dma_wait3A_31 = tpu.memref_slice %arg12[%dma_wait3A_29, %dma_wait3A_30] : memref<10240x128xf32, #tpu.memory_space<vmem_shared>> -> memref<10240x128xf32, #tpu.memory_space<vmem_shared>>
    tpu.wait_indirect_dma semaphore(%arg20 : memref<!tpu.dma_semaphore, #tpu.memory_space<semaphore_mem>>) src(%arg11 : memref<128x128xf32, #tpu.memory_space<vmem>>) dst(%dma_wait3A_31 : memref<10240x128xf32, #tpu.memory_space<vmem_shared>>)
    %barrier3A_32 = arith.constant 0 : index
    tpu.barrier barrier_id(%barrier3A_32)
    %mul3A_33 = arith.constant 10240 : i32
    %mul3A_34 = arith.muli %arg0, %mul3A_33 : i32
    %add3A_35 = arith.addi %mul3A_34, %mul3A_2 : i32
    "tpu.region"() ({
      %run_scoped3A = tpu.sem_alloc : memref<!tpu.dma_semaphore, #tpu.memory_space<semaphore_mem>>
      %dma_start3A_36 = arith.constant 0 : i32
      %dma_start3A_37 = tpu.memref_slice %arg5[%add3A_35, %dma_start3A_36] : memref<20480x128xf32, #tpu.memory_space<hbm>> -> memref<640x128xf32, #tpu.memory_space<hbm>>
      %dma_start3A_38 = arith.constant 0 : i32
      %dma_start3A_39 = tpu.memref_slice %arg12[%mul3A_2, %dma_start3A_38] : memref<10240x128xf32, #tpu.memory_space<vmem_shared>> -> memref<640x128xf32, #tpu.memory_space<vmem_shared>>
      tpu.enqueue_dma source(%dma_start3A_39 : memref<640x128xf32, #tpu.memory_space<vmem_shared>>) target(%dma_start3A_37 : memref<640x128xf32, #tpu.memory_space<hbm>>) target_semaphore(%run_scoped3A : memref<!tpu.dma_semaphore, #tpu.memory_space<semaphore_mem>>)
      %dma_wait3A_40 = arith.constant 0 : i32
      %dma_wait3A_41 = tpu.memref_slice %arg5[%add3A_35, %dma_wait3A_40] : memref<20480x128xf32, #tpu.memory_space<hbm>> -> memref<640x128xf32, #tpu.memory_space<hbm>>
      %dma_wait3A_42 = arith.constant 0 : i32
      %dma_wait3A_43 = tpu.memref_slice %arg12[%mul3A_2, %dma_wait3A_42] : memref<10240x128xf32, #tpu.memory_space<vmem_shared>> -> memref<640x128xf32, #tpu.memory_space<vmem_shared>>
      tpu.wait_dma2 semaphore(%run_scoped3A : memref<!tpu.dma_semaphore, #tpu.memory_space<semaphore_mem>>) src(%dma_wait3A_43 : memref<640x128xf32, #tpu.memory_space<vmem_shared>>) dst(%dma_wait3A_41 : memref<640x128xf32, #tpu.memory_space<hbm>>)
      tpu.yield
    }) : () -> ()
    return
  }
}

module attributes {stable_mosaic.version = 14 : i64} {
  func.func @_tc1_body(%arg0: i32, %arg1: memref<2000x128xf32, #tpu.memory_space<vmem>>, %arg2: memref<128x128xf32, #tpu.memory_space<vmem>>, %arg3: memref<2000x128xf32, #tpu.memory_space<vmem>>, %arg4: memref<2000x128xf32, #tpu.memory_space<vmem>>) attributes {dimension_semantics = [#tpu.dimension_semantics<arbitrary>], iteration_bounds = array<i64: 5>, scalar_prefetch = 0 : i64, scratch_operands = 0 : i64, tpu.core_type = #tpu.core_type<tc>, window_params = [{transform_indices = @transform_0, window_bounds = array<i64: 2000, 128>}, {pipeline_mode = #tpu.pipeline_mode<synchronous>, transform_indices = @transform_1, window_bounds = array<i64: 128, 128>}, {transform_indices = @transform_2, window_bounds = array<i64: 2000, 128>}, {transform_indices = @transform_3, window_bounds = array<i64: 2000, 128>}]} {
    %get3A = arith.constant 0 : index
    %get3A_0 = arith.constant 0 : index
    %get3A_1 = vector.load %arg1[%get3A, %get3A_0] : memref<2000x128xf32, #tpu.memory_space<vmem>>, vector<2000x128xf32>
    %get3A_2 = arith.constant 0 : index
    %get3A_3 = arith.constant 0 : index
    %get3A_4 = vector.load %arg2[%get3A_2, %get3A_3] : memref<128x128xf32, #tpu.memory_space<vmem>>, vector<128x128xf32>
    %dot_general3A = arith.constant dense<0.000000e+00> : vector<2000x128xf32>
    %dot_general3A_5 = tpu.matmul %get3A_1, %get3A_4, %dot_general3A {dimension_numbers = #tpu.dot_dimension_numbers<[1], [0], [0], [1], [0, 0, 1, 1], [], []>, transpose_lhs_hint = false} : vector<2000x128xf32>, vector<128x128xf32>, vector<2000x128xf32> -> vector<2000x128xf32>
    %get3A_6 = arith.constant 0 : index
    %get3A_7 = arith.constant 0 : index
    %get3A_8 = vector.load %arg3[%get3A_6, %get3A_7] : memref<2000x128xf32, #tpu.memory_space<vmem>>, vector<2000x128xf32>
    %rsqrt3A = math.rsqrt %get3A_8 : vector<2000x128xf32>
    %mul3A = arith.mulf %dot_general3A_5, %rsqrt3A : vector<2000x128xf32>
    %swap3A = arith.constant 0 : index
    %swap3A_9 = arith.constant 0 : index
    %swap3A_10 = vector.load %arg4[%swap3A, %swap3A_9] : memref<2000x128xf32, #tpu.memory_space<vmem>>, vector<2000x128xf32>
    tpu.vector_store %arg4[%swap3A, %swap3A_9], %mul3A {strides = array<i32>} : memref<2000x128xf32, #tpu.memory_space<vmem>>, vector<2000x128xf32>,
    return
  }
  func.func @transform_0(%arg0: i32) -> (i32, i32) {
    %c0_i32 = arith.constant 0 : i32
    %c0_i32_0 = arith.constant 0 : i32
    return %arg0, %c0_i32 : i32, i32
  }
  func.func @transform_1(%arg0: i32) -> (i32, i32) {
    %c0_i32 = arith.constant 0 : i32
    %c0_i32_0 = arith.constant 0 : i32
    %c0_i32_1 = arith.constant 0 : i32
    return %c0_i32, %c0_i32_0 : i32, i32
  }
  func.func @transform_2(%arg0: i32) -> (i32, i32) {
    %c0_i32 = arith.constant 0 : i32
    %c0_i32_0 = arith.constant 0 : i32
    return %arg0, %c0_i32 : i32, i32
  }
  func.func @transform_3(%arg0: i32) -> (i32, i32) {
    %c0_i32 = arith.constant 0 : i32
    %c0_i32_0 = arith.constant 0 : i32
    return %arg0, %c0_i32 : i32, i32
  }
}

module attributes {stable_mosaic.version = 14 : i64} {
  func.func @_tc2_body(%arg0: i32, %arg1: memref<2000x128xf32, #tpu.memory_space<vmem>>, %arg2: memref<2000x128xf32, #tpu.memory_space<vmem>>, %arg3: memref<2000x128xf32, #tpu.memory_space<vmem>>, %arg4: memref<2000x128xf32, #tpu.memory_space<vmem>>, %arg5: memref<1x128xf32, #tpu.memory_space<vmem>>, %arg6: memref<128x128xf32, #tpu.memory_space<vmem>>, %arg7: memref<2000x128xf32, #tpu.memory_space<vmem>>) attributes {dimension_semantics = [#tpu.dimension_semantics<arbitrary>], iteration_bounds = array<i64: 5>, scalar_prefetch = 0 : i64, scratch_operands = 0 : i64, tpu.core_type = #tpu.core_type<tc>, window_params = [{transform_indices = @transform_0, window_bounds = array<i64: 2000, 128>}, {transform_indices = @transform_1, window_bounds = array<i64: 2000, 128>}, {transform_indices = @transform_2, window_bounds = array<i64: 2000, 128>}, {transform_indices = @transform_3, window_bounds = array<i64: 2000, 128>}, {pipeline_mode = #tpu.pipeline_mode<synchronous>, transform_indices = @transform_4, window_bounds = array<i64: 1, 128>}, {pipeline_mode = #tpu.pipeline_mode<synchronous>, transform_indices = @transform_5, window_bounds = array<i64: 128, 128>}, {transform_indices = @transform_6, window_bounds = array<i64: 2000, 128>}]} {
    %get3A = arith.constant 0 : index
    %get3A_0 = arith.constant 0 : index
    %get3A_1 = vector.load %arg4[%get3A, %get3A_0] : memref<2000x128xf32, #tpu.memory_space<vmem>>, vector<2000x128xf32>
    %rsqrt3A = math.rsqrt %get3A_1 : vector<2000x128xf32>
    %get3A_2 = arith.constant 0 : index
    %get3A_3 = arith.constant 0 : index
    %get3A_4 = vector.load %arg1[%get3A_2, %get3A_3] : memref<2000x128xf32, #tpu.memory_space<vmem>>, vector<2000x128xf32>
    %get3A_5 = arith.constant 0 : index
    %get3A_6 = arith.constant 0 : index
    %get3A_7 = vector.load %arg2[%get3A_5, %get3A_6] : memref<2000x128xf32, #tpu.memory_space<vmem>>, vector<2000x128xf32>
    %add3A = arith.addf %get3A_4, %get3A_7 : vector<2000x128xf32>
    %get3A_8 = arith.constant 0 : index
    %get3A_9 = arith.constant 0 : index
    %get3A_10 = vector.load %arg3[%get3A_8, %get3A_9] : memref<2000x128xf32, #tpu.memory_space<vmem>>, vector<2000x128xf32>
    %sub3A = arith.subf %add3A, %get3A_10 : vector<2000x128xf32>
    %mul3A = arith.mulf %rsqrt3A, %sub3A : vector<2000x128xf32>
    %get3A_11 = arith.constant 0 : index
    %get3A_12 = arith.constant 0 : index
    %get3A_13 = vector.load %arg5[%get3A_11, %get3A_12] : memref<1x128xf32, #tpu.memory_space<vmem>>, vector<1x128xf32>
    %add3A_14 = vector.broadcast %get3A_13 : vector<1x128xf32> to vector<2000x128xf32>
    %add3A_15 = arith.addf %mul3A, %add3A_14 : vector<2000x128xf32>
    %max3A = arith.constant 0.000000e+00 : f32
    %max3A_16 = vector.broadcast %max3A : f32 to vector<2000x128xf32>
    %max3A_17 = arith.maximumf %add3A_15, %max3A_16 : vector<2000x128xf32>
    %get3A_18 = arith.constant 0 : index
    %get3A_19 = arith.constant 0 : index
    %get3A_20 = vector.load %arg6[%get3A_18, %get3A_19] : memref<128x128xf32, #tpu.memory_space<vmem>>, vector<128x128xf32>
    %dot_general3A = arith.constant dense<0.000000e+00> : vector<2000x128xf32>
    %dot_general3A_21 = tpu.matmul %max3A_17, %get3A_20, %dot_general3A {dimension_numbers = #tpu.dot_dimension_numbers<[1], [0], [0], [1], [0, 0, 1, 1], [], []>, transpose_lhs_hint = false} : vector<2000x128xf32>, vector<128x128xf32>, vector<2000x128xf32> -> vector<2000x128xf32>
    %mul3A_22 = arith.mulf %dot_general3A_21, %rsqrt3A : vector<2000x128xf32>
    %swap3A = arith.constant 0 : index
    %swap3A_23 = arith.constant 0 : index
    %swap3A_24 = vector.load %arg7[%swap3A, %swap3A_23] : memref<2000x128xf32, #tpu.memory_space<vmem>>, vector<2000x128xf32>
    tpu.vector_store %arg7[%swap3A, %swap3A_23], %mul3A_22 {strides = array<i32>} : memref<2000x128xf32, #tpu.memory_space<vmem>>, vector<2000x128xf32>,
    return
  }
  func.func @transform_0(%arg0: i32) -> (i32, i32) {
    %c0_i32 = arith.constant 0 : i32
    %c0_i32_0 = arith.constant 0 : i32
    return %arg0, %c0_i32 : i32, i32
  }
  func.func @transform_1(%arg0: i32) -> (i32, i32) {
    %c0_i32 = arith.constant 0 : i32
    %c0_i32_0 = arith.constant 0 : i32
    return %arg0, %c0_i32 : i32, i32
  }
  func.func @transform_2(%arg0: i32) -> (i32, i32) {
    %c0_i32 = arith.constant 0 : i32
    %c0_i32_0 = arith.constant 0 : i32
    return %arg0, %c0_i32 : i32, i32
  }
  func.func @transform_3(%arg0: i32) -> (i32, i32) {
    %c0_i32 = arith.constant 0 : i32
    %c0_i32_0 = arith.constant 0 : i32
    return %arg0, %c0_i32 : i32, i32
  }
  func.func @transform_4(%arg0: i32) -> (i32, i32) {
    %c0_i32 = arith.constant 0 : i32
    %c0_i32_0 = arith.constant 0 : i32
    %c0_i32_1 = arith.constant 0 : i32
    return %c0_i32, %c0_i32_0 : i32, i32
  }
  func.func @transform_5(%arg0: i32) -> (i32, i32) {
    %c0_i32 = arith.constant 0 : i32
    %c0_i32_0 = arith.constant 0 : i32
    %c0_i32_1 = arith.constant 0 : i32
    return %c0_i32, %c0_i32_0 : i32, i32
  }
  func.func @transform_6(%arg0: i32) -> (i32, i32) {
    %c0_i32 = arith.constant 0 : i32
    %c0_i32_0 = arith.constant 0 : i32
    return %arg0, %c0_i32 : i32, i32
  }
}

module attributes {stable_mosaic.version = 14 : i64} {
  func.func @_tc3_body(%arg0: i32, %arg1: memref<2000x128xf32, #tpu.memory_space<vmem>>, %arg2: memref<2000x128xf32, #tpu.memory_space<vmem>>, %arg3: memref<2000x128xf32, #tpu.memory_space<vmem>>, %arg4: memref<2000x128xf32, #tpu.memory_space<vmem>>, %arg5: memref<1x128xf32, #tpu.memory_space<vmem>>, %arg6: memref<2000x128xf32, #tpu.memory_space<vmem>>) attributes {dimension_semantics = [#tpu.dimension_semantics<arbitrary>], iteration_bounds = array<i64: 5>, scalar_prefetch = 0 : i64, scratch_operands = 0 : i64, tpu.core_type = #tpu.core_type<tc>, window_params = [{transform_indices = @transform_0, window_bounds = array<i64: 2000, 128>}, {transform_indices = @transform_1, window_bounds = array<i64: 2000, 128>}, {transform_indices = @transform_2, window_bounds = array<i64: 2000, 128>}, {transform_indices = @transform_3, window_bounds = array<i64: 2000, 128>}, {pipeline_mode = #tpu.pipeline_mode<synchronous>, transform_indices = @transform_4, window_bounds = array<i64: 1, 128>}, {transform_indices = @transform_5, window_bounds = array<i64: 2000, 128>}]} {
    %get3A = arith.constant 0 : index
    %get3A_0 = arith.constant 0 : index
    %get3A_1 = vector.load %arg4[%get3A, %get3A_0] : memref<2000x128xf32, #tpu.memory_space<vmem>>, vector<2000x128xf32>
    %rsqrt3A = math.rsqrt %get3A_1 : vector<2000x128xf32>
    %get3A_2 = arith.constant 0 : index
    %get3A_3 = arith.constant 0 : index
    %get3A_4 = vector.load %arg1[%get3A_2, %get3A_3] : memref<2000x128xf32, #tpu.memory_space<vmem>>, vector<2000x128xf32>
    %get3A_5 = arith.constant 0 : index
    %get3A_6 = arith.constant 0 : index
    %get3A_7 = vector.load %arg2[%get3A_5, %get3A_6] : memref<2000x128xf32, #tpu.memory_space<vmem>>, vector<2000x128xf32>
    %add3A = arith.addf %get3A_4, %get3A_7 : vector<2000x128xf32>
    %get3A_8 = arith.constant 0 : index
    %get3A_9 = arith.constant 0 : index
    %get3A_10 = vector.load %arg3[%get3A_8, %get3A_9] : memref<2000x128xf32, #tpu.memory_space<vmem>>, vector<2000x128xf32>
    %sub3A = arith.subf %add3A, %get3A_10 : vector<2000x128xf32>
    %mul3A = arith.mulf %rsqrt3A, %sub3A : vector<2000x128xf32>
    %get3A_11 = arith.constant 0 : index
    %get3A_12 = arith.constant 0 : index
    %get3A_13 = vector.load %arg5[%get3A_11, %get3A_12] : memref<1x128xf32, #tpu.memory_space<vmem>>, vector<1x128xf32>
    %add3A_14 = vector.broadcast %get3A_13 : vector<1x128xf32> to vector<2000x128xf32>
    %add3A_15 = arith.addf %mul3A, %add3A_14 : vector<2000x128xf32>
    %swap3A = arith.constant 0 : index
    %swap3A_16 = arith.constant 0 : index
    %swap3A_17 = vector.load %arg6[%swap3A, %swap3A_16] : memref<2000x128xf32, #tpu.memory_space<vmem>>, vector<2000x128xf32>
    tpu.vector_store %arg6[%swap3A, %swap3A_16], %add3A_15 {strides = array<i32>} : memref<2000x128xf32, #tpu.memory_space<vmem>>, vector<2000x128xf32>,
    return
  }
  func.func @transform_0(%arg0: i32) -> (i32, i32) {
    %c0_i32 = arith.constant 0 : i32
    %c0_i32_0 = arith.constant 0 : i32
    return %arg0, %c0_i32 : i32, i32
  }
  func.func @transform_1(%arg0: i32) -> (i32, i32) {
    %c0_i32 = arith.constant 0 : i32
    %c0_i32_0 = arith.constant 0 : i32
    return %arg0, %c0_i32 : i32, i32
  }
  func.func @transform_2(%arg0: i32) -> (i32, i32) {
    %c0_i32 = arith.constant 0 : i32
    %c0_i32_0 = arith.constant 0 : i32
    return %arg0, %c0_i32 : i32, i32
  }
  func.func @transform_3(%arg0: i32) -> (i32, i32) {
    %c0_i32 = arith.constant 0 : i32
    %c0_i32_0 = arith.constant 0 : i32
    return %arg0, %c0_i32 : i32, i32
  }
  func.func @transform_4(%arg0: i32) -> (i32, i32) {
    %c0_i32 = arith.constant 0 : i32
    %c0_i32_0 = arith.constant 0 : i32
    %c0_i32_1 = arith.constant 0 : i32
    return %c0_i32, %c0_i32_0 : i32, i32
  }
  func.func @transform_5(%arg0: i32) -> (i32, i32) {
    %c0_i32 = arith.constant 0 : i32
    %c0_i32_0 = arith.constant 0 : i32
    return %arg0, %c0_i32 : i32, i32
  }
}

</mosaic_0001>

<sc_bundles>
// kernel: kernel.11.cloned.1.call-start
scs
__scs_entry_jumppad:
0x0: {  	(pc) =	sbr.rel $0x88, $3  }
0x1: {  	(tag) =	ssettag $0x0;
	lr =	simm.s32 $0x1  }
0x2: {  	[smem:$0x3F9B] =	sst lr;
	_ =	strace $0xD0000000  }
0x3: {  	_ = 	snop  }
0x4: {  	_ = 	snop  }
0x5: {  	_ = 	snop  }
0x6: {  	_ = 	snop  }
0x7: {  	_ = 	snop  }
__scs_overlays_trampoline_lowered:
0x8: {  	[smem:$0x3FAA] =	sst s0  }
0x9: {  	[smem:$0x3FAB] =	sst s1  }
0xa: {  	[smem:$0x3FAC] =	sst s2  }
0xb: {  	[smem:$0x3FAD] =	sst s3  }
0xc: {  	[smem:$0x3FAE] =	sst s4  }
0xd: {  	[smem:$0x3FAF] =	sst s5  }
0xe: {  	[smem:$0x3FB0] =	sst s6  }
0xf: {  	[smem:$0x3FB1] =	sst s7  }
0x10: {  	[smem:$0x3FB2] =	sst s8  }
0x11: {  	[smem:$0x3FB3] =	sst s9;
	s0 =	simm.s32 @!p0 $0x0  }
0x12: {  	s1 =	sld [smem:$0x3F99];
	s0 =	simm.s32 @p0 $0x1  }
0x13: {  	[smem:$0x3FB4] =	sst s0;
	s0 =	simm.s32 @!p1 $0x0  }
0x14: {  	s2 =	sld [smem:$0x3F98];
	s0 =	simm.s32 @p1 $0x1  }
0x15: {  	[smem:$0x3FB5] =	sst s0;
	s0 =	simm.s32 @!p2 $0x0  }
0x16: {  	s3 =	sld [smem:$0x3FDB];
	s0 =	simm.s32 @p2 $0x1  }
0x17: {  	s4 =	simm.s32 $0x1BF5;
	[smem:$0x3FB7] =	sst s0  }
0x18: {  	s0 =	sld [smem:$0x3F9A];
	_ =	swait.ge [sflag:s4], $0x0  }
0x19: {  	s7 =	sld [smem:$0x3F9B]  }
0x1a: {  	s8 =	sadd.s32 $0xFFFFE003, lr  }
0x1b: {  	s9 =	sadd.s32 $0xFFFFFEF7, lr;
	s5 =	simm.s32 $0xFFFFFFFF;
	p2 =	slt.u32 s8, $0xFFFFF086  }
0x1c: {  	p1 =	slt.u32 s9, $0xF7A;
	s5 =	simm.s32 @!p2 $0x0  }
0x1d: {  	s5 =	simm.s32 @p1 $0x1;
	p0 =	seq.s32 s7, s2  }
0x1e: {  	s7 =	smul.u32 @!p0 $0xF7A, s2;
	p2 =	seq.s32 @!p0 s5, $0x0  }
0x1f: {  	s9 =	smul.u32 $0xF7A, s1;
	s8 =	simm.s32 @!p0 $0x1BF5;
	p2 =	por !p2, p0  }
0x20: {  	[sflag:s8] =	ssyncset.s32 @!p0 $0xFFFFF086;
	s6 =	sadd.s32 @!p0 s3, s7;
	s7 =	simm.s32 @!p0 $0x108  }
0x21: {  	s3 =	sadd.s32 s3, s9;
	s6 =	sadd.s32 @!p0 $0x88, s6;
	s7 =	simm.s32 @p2 $0x1082  }
0x22: {  	[simem:s7], [sflag:s8] =	dma.local @!p0 [hbm:s6], $0xF7A  }
0x23: {  	s9 =	sor.u32 $0xD0000000, s2;
	s6 =	simm.s32 $0x108;
	_ =	swait.ge @!p0 [sflag:s8], $0x0  }
0x24: {  	s3 =	sadd.s32 $0x88, s3;
	s6 =	simm.s32 @!p1 $0x1082;
	[sflag:s4] =	ssyncset.s32 $0xFFFFF086  }
0x25: {  	[simem:s6], [sflag:s4] =	dma.local [hbm:s3], $0xF7A  }
0x26: {  	[smem:$0x3F9B] =	sst s1;
	(tag) =	ssettag s2;
	_ =	strace s9  }
0x27: {  	s1 =	sld [smem:$0x3FAB]  }
0x28: {  	s2 =	sld [smem:$0x3FAC]  }
0x29: {  	s4 =	sld [smem:$0x3FAE]  }
0x2a: {  	p0 =	seq.s32 s5, $0x0;
	s5 =	sld [smem:$0x3FAF]  }
0x2b: {  	s6 =	sld [smem:$0x3FB0]  }
0x2c: {  	s7 =	sld [smem:$0x3FB1]  }
0x2d: {  	s3 =	simm.s32 $0x108;
	s8 =	sld [smem:$0x3FB2]  }
0x2e: {  	s3 =	simm.s32 @!p0 $0x1082;
	s9 =	sld [smem:$0x3FB3]  }
0x2f: {  	lr =	sadd.s32 s0, s3;
	s0 =	sld [smem:$0x3FAA]  }
0x30: {  	s3 =	sld [smem:$0x3FAD]  }
0x31: {  	[smem:$0x3FB6] =	sst s10  }
0x32: {  	s10 =	sld [smem:$0x3FB4];
	_ =	sdelay $0x3  }
0x33: {  	p0 =	seq.s32 s10, $0x1;
	s10 =	sld [smem:$0x3FB6];
	_ =	sdelay $0x3  }
0x34: {  	[smem:$0x3FB6] =	sst s10  }
0x35: {  	s10 =	sld [smem:$0x3FB5];
	_ =	sdelay $0x3  }
0x36: {  	p1 =	seq.s32 s10, $0x1;
	s10 =	sld [smem:$0x3FB6];
	_ =	sdelay $0x3  }
0x37: {  	[smem:$0x3FB6] =	sst s10  }
0x38: {  	s10 =	sld [smem:$0x3FB7]  }
0x39: {  	_ = 	snop;
	(pc) =	sbr.ind lr, $3  }
0x3a: {  	_ = 	snop  }
0x3b: {  	_ = 	snop  }
0x3c: {  	p2 =	seq.s32 s10, $0x1;
	s10 =	sld [smem:$0x3FB6]  }
0x3d: {  	_ =	shalt  }
0x3e: {  	_ =	shalt  }
0x3f: {  	_ =	shalt  }
0x40: {  	_ =	shalt  }
0x41: {  	_ =	shalt  }
0x42: {  	_ =	shalt  }
0x43: {  	_ =	shalt  }
0x44: {  	_ =	shalt  }
0x45: {  	_ =	shalt  }
0x46: {  	_ =	shalt  }
0x47: {  	_ =	shalt  }
0x48: {  	_ =	shalt  }
0x49: {  	_ =	shalt  }
0x4a: {  	_ =	shalt  }
0x4b: {  	_ =	shalt  }
0x4c: {  	_ =	shalt  }
0x4d: {  	_ =	shalt  }
0x4e: {  	_ =	shalt  }
0x4f: {  	_ =	shalt  }
0x50: {  	_ =	shalt  }
0x51: {  	_ =	shalt  }
0x52: {  	_ =	shalt  }
0x53: {  	_ =	shalt  }
0x54: {  	_ =	shalt  }
0x55: {  	_ =	shalt  }
0x56: {  	_ =	shalt  }
0x57: {  	_ =	shalt  }
0x58: {  	_ =	shalt  }
0x59: {  	_ =	shalt  }
0x5a: {  	_ =	shalt  }
0x5b: {  	_ =	shalt  }
0x5c: {  	_ =	shalt  }
0x5d: {  	_ =	shalt  }
0x5e: {  	_ =	shalt  }
0x5f: {  	_ =	shalt  }
0x60: {  	_ =	shalt  }
0x61: {  	_ =	shalt  }
0x62: {  	_ =	shalt  }
0x63: {  	_ =	shalt  }
0x64: {  	_ =	shalt  }
0x65: {  	_ =	shalt  }
0x66: {  	_ =	shalt  }
0x67: {  	_ =	shalt  }
0x68: {  	_ =	shalt  }
0x69: {  	_ =	shalt  }
0x6a: {  	_ =	shalt  }
0x6b: {  	_ =	shalt  }
0x6c: {  	_ =	shalt  }
0x6d: {  	_ =	shalt  }
0x6e: {  	_ =	shalt  }
0x6f: {  	_ =	shalt  }
0x70: {  	_ =	shalt  }
0x71: {  	_ =	shalt  }
0x72: {  	_ =	shalt  }
0x73: {  	_ =	shalt  }
0x74: {  	_ =	shalt  }
0x75: {  	_ =	shalt  }
0x76: {  	_ =	shalt  }
0x77: {  	_ =	shalt  }
0x78: {  	_ =	shalt  }
0x79: {  	_ =	shalt  }
0x7a: {  	_ =	shalt  }
0x7b: {  	_ =	shalt  }
0x7c: {  	_ =	shalt  }
0x7d: {  	_ =	shalt  }
0x7e: {  	_ =	shalt  }
0x7f: {  	_ =	shalt  }
0x80: {  	_ =	shalt  }
0x81: {  	_ =	shalt  }
0x82: {  	_ =	shalt  }
0x83: {  	_ =	shalt  }
0x84: {  	_ =	shalt  }
0x85: {  	_ =	shalt  }
0x86: {  	_ =	shalt  }
0x87: {  	_ =	shalt  }
.Lfunc_end0:
.L_simem_size_0:
called_computation.1_lowered:
.L_overlay_start_0:
0x88: {  	s2 =	sld [smem:$0x3FD9]  }
0x89: {  	s3 =	sld [smem:$0x3FFE];
	_ =	sdelay $0x1  }
0x8a: {  	s1 =	srdreg.scid  }
0x8b: {  	s0 =	sand.u32 $0x1, s1  }
0x8c: {  	s16 =	sshll.u32 s0, $0xA;
	s2 =	sadd.s32 s3, s2  }
0x8d: {  	s2 =	sadd.s32 s2, s16  }
0x8e: {  	[smem:$0x3FC2] =	sst s2  }
0x8f: {  	_ = 	snop  }
0x90: {  	(tm) =	ssettm $0x1  }
0x91: {  	s17 =	sld [smem:$0x3FFB];
	_ =	sdelay $0x3  }
0x92: {  	_ =	strace s17  }
0x93: {  	s2 =	sld [smem:$0x3FFC];
	_ =	sdelay $0x3  }
0x94: {  	_ =	strace s2  }
0x95: {  	s2 =	sld [smem:$0x3FFD];
	_ =	sdelay $0x3  }
0x96: {  	_ =	strace s2  }
0x97: {  	_ =	strace $0x8FFFFFFF  }
0x98: {  	s18 =	sld [smem:$0x3FDB];
	_ =	sdelay $0x1  }
0x99: {  	s19 =	simm.s32 $_scs_section_size  }
0x9a: {  	s4 =	simm.s32 $_size__tile_overlayer_lowered;
	s5 =	simm.s32 $_tile_overlayer_lowered  }
0x9b: {  	s22 =	simm.s32 $0x1BFF;
	s21 =	sshll.u32 s5, $0x1;
	s2 =	sadd.s32 s19, s18  }
0x9c: {  	s6 =	simm.s32 $0x0;
	s20 =	sshll.u32 s4, $0x1;
	s4 =	sadd.s32 s21, s2  }
0x9d: {  	[timem:s6], [sflag:s22] =	dma.local [hbm:s4], s20  }
0x9e: {  	_ =	swait.ge [sflag:s22], s20  }
0x9f: {  	s3 =	ssub.s32 $0x0, s20;
	[sflag:s22] =	ssyncset.done $0x0  }
0xa0: {  	[sflag:s22] =	ssyncadd.s32 s3;
	_ =	sdelay $0x1  }
0xa1: {  	s23 =	simm.s32 $0x1B8B  }
0xa2: {  	_ =	swait.ge [sflag:s23], $0x1  }
0xa3: {  	[sflag:s23] =	ssyncset.done $0x0  }
0xa4: {  	s25 =	simm.s32 $0x1B8E;
	s24 =	sld [smem:$0x3FFE];
	[sflag:s23] =	ssyncadd.s32 $0xFFFFFFFF  }
0xa5: {  	s26 =	simm.s32 $execute0_lowered;
	[smem:$0x3FD2] =	sst s25  }
0xa6: {  	s4 =	sshll.u32 s26, $0x1;
	_ =	strace $0x80000049;
	[dreg:$0x1] =	wrdreg $0xFFFFFFFF  }
0xa7: {  	s28 =	simm.s32 $_size_execute0_lowered;
	s2 =	sadd.s32 s2, s4;
	[dreg:$0x0] =	wrdreg $0x0  }
0xa8: {  	s4 =	sshll.u32 s28, $0x1;
	[dreg:$0x2] =	wrdreg s2  }
0xa9: {  	[dreg:$0x3] =	wrdreg s4  }
0xaa: {  	[dreg:$0x4] =	wrdreg $0xC0  }
0xab: {  	_ =	task [dreg:s6], $0x5FFFF  }
0xac: {  	[dreg:$0x1] =	wrdreg $0xFFFFFFFF  }
0xad: {  	[dreg:$0x0] =	wrdreg $0x60  }
0xae: {  	[dreg:$0x2] =	wrdreg s24  }
0xaf: {  	[dreg:$0x3] =	wrdreg $0x82000  }
0xb0: {  	[dreg:$0x4] =	wrdreg $0x9  }
0xb1: {  	_ =	task.clear_ibuf [dreg:s6], $0x5FFFF;
	_ =	strace $0x90000049  }
0xb2: {  	s29 =	simm.s32 $0x9;
	_ =	strace $0x8000004B  }
0xb3: {  	_ =	swait.ge [sflag:s29], $0x1  }
0xb4: {  	[sflag:s29] =	ssyncadd.s32 $0xFFFFFFFF  }
0xb5: {  	_ =	strace $0x9000004B  }
0xb6: {  	_ =	sfence  }
0xb7: {  	s30 =	sld [smem:$0x0];
	_ =	sdelay $0x2  }
0xb8: {  	s31 =	sshll.u32 s1, $0xD;
	s1 =	sshrl.u32 s1, $0x2  }
0xb9: {  	s3 =	sand.u32 $0x4000, s31;
	s1 =	sadd.s32 s1, s30  }
0xba: {  	s0 =	sor.u32 s3, s0;
	s1 =	sshll.u32 s1, $0x11  }
0xbb: {  	s0 =	sor.u32 s1, s0  }
0xbc: {  	s0 =	sadd.s32 $0x8F2B, s0  }
0xbd: {  	[sflag:s0] =	ssyncadd.remote.s32 $0x1  }
0xbe: {  	_ =	sfence.sel $0xFFFF  }
0xbf: {  	[dreg:$0x0] =	wrdreg $0xFFFFFFFF;
	(pc) =	sbr.abs _section_cstart, $3  }
0xc0: {  	[dreg:$0x1] =	wrdreg $0xFFFFFFFF  }
0xc1: {  	_ =	task.clear_ibuf [dreg:s6], $0x2FFFF;
	_ =	strace $0x9FFFFFFF  }
0xc2: {  	(tm) =	ssettm $0x7FFFFFFF  }
0xc3: {  	_ =	shalt  }
tec
execute0_lowered:
.L_overlay_start_1:
0x0: {  	(tag) =	ssettag $0x1  }
0x1: {  	s0 =	rddreg [dreg:$0x0]  }
0x2: {  	s1 =	rddreg [dreg:$0x1];
	s2 =	simm.s32 $0x0  }
0x3: {  	s3 =	srdreg.scid;
	s13 =	stileid.u32;
	s28 =	simm.s32 $0x3  }
0x4: {  	s29 =	simm.s32 $0x180;
	s30 =	simm.s32 $0x2;
	s31 =	simm.s32 $0x4200  }
0x5: {  	[smem:$0x7FF] =	sst s2;
	s4 =	sadd.s32 $0x16400, s0;
	s5 =	smul.u32 $0x2800, s13  }
0x6: {  	s3 =	sand.u32 $0x1, s3;
	s6 =	sshll.u32 s13, $0x1;
	s12 =	smul.u32 $0x50000, s13  }
0x7: {  	s7 =	sadd.s32 $0x2400, s0;
	s9 =	sadd.s32 $0xC400, s0;
	s15 =	smul.u32 $0x5000, s13  }
0x8: {  	s19 =	sshll.u32 s13, $0x6;
	_ =	strace $0x8000004A;
	s8 =	smul.u32 $0x28000, s3  }
0x9: {  	s6 =	sor.u32 s3, s6;
	s10 =	ssub.s32 $0x2, s3;
	s3 =	smul.u32 $0x2800, s3  }
0xa: {  	s6 =	smul.u32 $0x2800, s6;
	s11 =	sshrl.u32 s10, $0x1;
	s18 =	sshrl.u32 s12, $0x2  }
0xb: {  	s8 =	sadd.s32 s5, s8;
	s26 =	ssub.s32 s10, s11;
	s5 =	sadd.s32 s4, s5  }
0xc: {  	s3 =	sadd.s32 s3, s15;
	s0 =	sadd.s32 s8, s0;
	s16 =	sshrl.u32 s6, $0x3  }
0xd: {  	[dreg:$0x7] =	wrdreg s5;
	s20 =	sor.u32 $0x80, s6;
	s14 =	sor.u32 $0x100, s6  }
0xe: {  	s6 =	sor.u32 $0x180, s6;
	s12 =	smax.u32 s26, $0x1;
	s24 =	sor.u32 $0x280, s3  }
0xf: {  	s25 =	sor.u32 $0x200, s3;
	s3 =	sor.u32 $0x180, s3;
	s8 =	simm.s32 $0x0  }
0x10: {  	s17 =	sadd.s32 s7, s16;
	s10 =	sadd.s32 s9, s16;
	s0 =	sadd.s32 $0x3E400, s0  }
0x11: {  	s21 =	sshrl.u32 s20, $0x3;
	s22 =	sshrl.u32 s14, $0x3;
	s23 =	sshrl.u32 s6, $0x3  }
0x12: {  	s26 =	sshrl.u32 s25, $0x3;
	s3 =	sshrl.u32 s3, $0x3;
	[dreg:$0x4] =	wrdreg s10  }
0x13: {  	s25 =	simm.s32 $0x200;
	s6 =	simm.s32 $0x7;
	[dreg:$0x3] =	wrdreg s17  }
0x14: {  	s11 =	sadd.s32 $0x10, s17;
	s10 =	sadd.s32 s18, s1;
	[dreg:$0x8] =	wrdreg s0  }
0x15: {  	s13 =	sadd.s32 s9, s21;
	s14 =	sadd.s32 s7, s22;
	s15 =	sadd.s32 s9, s22  }
0x16: {  	s16 =	sadd.s32 s7, s23;
	s0 =	sshrl.u32 s24, $0x3;
	s18 =	sadd.s32 s26, s9  }
.Ltmp0:
0x17: {  	s20 =	sadd.s32 s3, s9;
	s21 =	simm.s32 $0x100;
	(pc) =	sbr.rel .LBB2_1-.Ltmp0, $4  }
0x18: {  	s22 =	simm.s32 $0x80;
	s23 =	simm.s32 $0x9;
	[dreg:$0x5] =	wrdreg s11  }
0x19: {  	s24 =	simm.s32 $0x1;
	s3 =	simm.s32 $0x4;
	[dreg:$0x6] =	wrdreg s10  }
0x1a: {  	s10 =	sor.u32 $0x1C09, s19;
	s17 =	sadd.s32 s0, s7;
	s19 =	sadd.s32 s26, s7  }
0x1b: {  	s26 =	simm.s32 $0x5;
	s0 =	simm.s32 $0x6;
	s7 =	simm.s32 $0x8  }
.LBB2_3:
0x1c: {  	_ =	swait.ge [sflag:s0], $0x4000  }
0x1d: {  	[sflag:s0] =	ssyncset.done $0x0  }
0x1e: {  	[sflag:s0] =	ssyncadd.s32 $0xFFFFC000  }
0x1f: {  	_ =	swait.ge [sflag:s3], $0x80  }
0x20: {  	[sflag:s3] =	ssyncset.done $0x0  }
0x21: {  	[sflag:s3] =	ssyncadd.s32 $0xFFFFFF80  }
0x22: {  	[spmem:s1] =	stream.indirect.scatter.add.f32 [tilespmem:s31], [sflag:$0x8], $0x80, s29, s22, $0xb8;
	[tilespmem:$0x1C200] =	vst v63  }
0x23: {  	_ =	swait.ge [sflag:s6], $0x4000  }
0x24: {  	[sflag:s6] =	ssyncset.done $0x0  }
0x25: {  	[sflag:s6] =	ssyncadd.s32 $0xFFFFC000  }
.LBB2_5:
0x26: {  	_ =	swait.ge [sflag:s7], $0x4000  }
0x27: {  	[sflag:s7] =	ssyncset.done $0x0  }
0x28: {  	s8 =	sadd.s32 $0x1, s8;
	[sflag:s7] =	ssyncadd.s32 $0xFFFFC000  }
0x29: {  	p0 =	sne.s32 s8, s12;
	[bflag:$0x0] =	sbarrier.arrive $0xFFFF  }
.Ltmp1:
0x2a: {  	s9 =	rddreg [dreg:$0x8];
	(pc) =	sbr.rel @!p0 .LBB2_6-.Ltmp1, $4  }
0x2b: {  	[hbm:s9], [sflag:s10] =	dma.local [spmem:s5], $0x2800  }
0x2c: {  	_ =	swait.ge [sflag:s23], $0x2800  }
0x2d: {  	[sflag:s23] =	ssyncset.done $0x0  }
0x2e: {  	[sflag:s23] =	ssyncadd.s32 $0xFFFFD800  }
.LBB2_1:
0x2f: {  	s5 =	rddreg [dreg:$0x3]  }
0x30: {  	s11 =	rddreg [dreg:$0x4]  }
0x31: {  	[tilespmem:s2], [sflag:$0x1] =	stream.linear.gather [hbm4b:s5+s2], $0x80, $0x38;
	[tilespmem:$0x1C200] =	vst v63  }
0x32: {  	s9 =	rddreg [dreg:$0x5]  }
0x33: {  	[tilespmem:s21], [sflag:$0x3] =	stream.linear.gather [hbm4b:s11+s2], $0x80, $0x38;
	[tilespmem:$0x1C200] =	vst v63  }
0x34: {  	s11 =	rddreg [dreg:$0x6]  }
0x35: {  	[tilespmem:s22], [sflag:$0x2] =	stream.linear.gather [hbm4b:s9+s2], $0x80, $0x38;
	[tilespmem:$0x1C200] =	vst v63  }
0x36: {  	s5 =	sshrl.u32 s11, $0x3;
	s9 =	rddreg [dreg:$0x7]  }
0x37: {  	[spmem:s5], [sflag:s10] =	dma.local [hbm:s9], $0x2800  }
0x38: {  	_ =	swait.ge [sflag:s23], $0x2800  }
0x39: {  	[sflag:s23] =	ssyncset.done $0x0  }
0x3a: {  	[sflag:s23] =	ssyncadd.s32 $0xFFFFD800  }
0x3b: {  	_ =	swait.ge [sflag:s24], $0x80  }
0x3c: {  	[sflag:s24] =	ssyncset.done $0x0  }
0x3d: {  	[sflag:s24] =	ssyncadd.s32 $0xFFFFFF80  }
0x3e: {  	[tilespmem:s25], [sflag:$0x5] =	stream.indirect.gather [hbm4b:s4+s22], $0x80, s2, s22, $0xb8;
	[tilespmem:$0x1C200] =	vst v63  }
0x3f: {  	[bflag:$0x0] =	sbarrier.arrive $0xFFFF  }
0x40: {  	_ =	swait.ge [sflag:s26], $0x4000  }
0x41: {  	[sflag:s26] =	ssyncset.done $0x0  }
0x42: {  	[sflag:s26] =	ssyncadd.s32 $0xFFFFC000  }
0x43: {  	_ =	swait.ge [sflag:s28], $0x80  }
0x44: {  	[sflag:s28] =	ssyncset.done $0x0  }
0x45: {  	[sflag:s28] =	ssyncadd.s32 $0xFFFFFF80  }
0x46: {  	[spmem:s1] =	stream.indirect.scatter.add.f32 [tilespmem:s25], [sflag:$0x7], $0x80, s21, s22, $0xb8;
	[tilespmem:$0x1C200] =	vst v63  }
0x47: {  	_ = 	snop  }
0x48: {  	[tilespmem:s29], [sflag:$0x4] =	stream.linear.gather [hbm4b:s13+s2], $0x80, $0x38;
	[tilespmem:$0x1C200] =	vst v63  }
0x49: {  	_ =	swait.ge [sflag:s30], $0x80  }
0x4a: {  	[sflag:s30] =	ssyncset.done $0x0  }
0x4b: {  	[sflag:s30] =	ssyncadd.s32 $0xFFFFFF80  }
0x4c: {  	[tilespmem:s31], [sflag:$0x6] =	stream.indirect.gather [hbm4b:s4+s22], $0x80, s22, s22, $0xb8;
	[tilespmem:$0x1C200] =	vst v63  }
0x4d: {  	_ = 	snop  }
0x4e: {  	[tilespmem:s2], [sflag:$0x1] =	stream.linear.gather [hbm4b:s14+s2], $0x80, $0x38;
	[tilespmem:$0x1C200] =	vst v63  }
0x4f: {  	_ =	swait.ge [sflag:s0], $0x4000  }
0x50: {  	[sflag:s0] =	ssyncset.done $0x0  }
0x51: {  	[sflag:s0] =	ssyncadd.s32 $0xFFFFC000  }
0x52: {  	_ =	swait.ge [sflag:s3], $0x80  }
0x53: {  	[sflag:s3] =	ssyncset.done $0x0  }
0x54: {  	[sflag:s3] =	ssyncadd.s32 $0xFFFFFF80  }
0x55: {  	[spmem:s1] =	stream.indirect.scatter.add.f32 [tilespmem:s31], [sflag:$0x8], $0x80, s29, s22, $0xb8;
	[tilespmem:$0x1C200] =	vst v63  }
0x56: {  	_ =	swait.ge [sflag:s6], $0x4000  }
0x57: {  	[sflag:s6] =	ssyncset.done $0x0  }
0x58: {  	[sflag:s6] =	ssyncadd.s32 $0xFFFFC000  }
0x59: {  	[tilespmem:s21], [sflag:$0x3] =	stream.linear.gather [hbm4b:s15+s2], $0x80, $0x38;
	[tilespmem:$0x1C200] =	vst v63  }
0x5a: {  	_ =	swait.ge [sflag:s24], $0x80  }
0x5b: {  	[sflag:s24] =	ssyncset.done $0x0  }
0x5c: {  	[sflag:s24] =	ssyncadd.s32 $0xFFFFFF80  }
0x5d: {  	[tilespmem:s25], [sflag:$0x5] =	stream.indirect.gather [hbm4b:s4+s22], $0x80, s2, s22, $0xb8;
	[tilespmem:$0x1C200] =	vst v63  }
0x5e: {  	s9 =	simm.s32 $0x0  }
0x5f: {  	[tilespmem:s22], [sflag:$0x2] =	stream.linear.gather [hbm4b:s16+s2], $0x80, $0x38;
	[tilespmem:$0x1C200] =	vst v63  }
.LBB2_2:
0x60: {  	_ =	swait.ge [sflag:s26], $0x4000  }
0x61: {  	[sflag:s26] =	ssyncset.done $0x0  }
0x62: {  	[sflag:s26] =	ssyncadd.s32 $0xFFFFC000  }
0x63: {  	_ =	swait.ge [sflag:s28], $0x80  }
0x64: {  	[sflag:s28] =	ssyncset.done $0x0  }
0x65: {  	[sflag:s28] =	ssyncadd.s32 $0xFFFFFF80  }
0x66: {  	[spmem:s1] =	stream.indirect.scatter.add.f32 [tilespmem:s25], [sflag:$0x7], $0x80, s21, s22, $0xb8;
	[tilespmem:$0x1C200] =	vst v63  }
0x67: {  	_ =	swait.ge [sflag:s7], $0x4000  }
0x68: {  	[sflag:s7] =	ssyncset.done $0x0  }
0x69: {  	s11 =	sadd.s32 s9, s20;
	p0 =	sne.s32 s9, $0x4C0;
	[sflag:s7] =	ssyncadd.s32 $0xFFFFC000  }
0x6a: {  	[tilespmem:s29], [sflag:$0x4] =	stream.linear.gather [hbm4b:s11+s2], $0x80, $0x38;
	[tilespmem:$0x1C200] =	vst v63  }
.Ltmp2:
0x6b: {  	_ = 	snop;
	(pc) =	sbr.rel @!p0 .LBB2_3-.Ltmp2, $4  }
0x6c: {  	_ =	swait.ge [sflag:s30], $0x80  }
0x6d: {  	[sflag:s30] =	ssyncset.done $0x0  }
0x6e: {  	[sflag:s30] =	ssyncadd.s32 $0xFFFFFF80  }
0x6f: {  	[tilespmem:s31], [sflag:$0x6] =	stream.indirect.gather [hbm4b:s4+s22], $0x80, s22, s22, $0xb8;
	[tilespmem:$0x1C200] =	vst v63  }
0x70: {  	s11 =	sadd.s32 s9, s19  }
0x71: {  	[tilespmem:s2], [sflag:$0x1] =	stream.linear.gather [hbm4b:s11+s2], $0x80, $0x38;
	[tilespmem:$0x1C200] =	vst v63  }
0x72: {  	_ =	swait.ge [sflag:s0], $0x4000  }
0x73: {  	[sflag:s0] =	ssyncset.done $0x0  }
0x74: {  	[sflag:s0] =	ssyncadd.s32 $0xFFFFC000  }
0x75: {  	_ =	swait.ge [sflag:s3], $0x80  }
0x76: {  	[sflag:s3] =	ssyncset.done $0x0  }
0x77: {  	[sflag:s3] =	ssyncadd.s32 $0xFFFFFF80  }
0x78: {  	[spmem:s1] =	stream.indirect.scatter.add.f32 [tilespmem:s31], [sflag:$0x8], $0x80, s29, s22, $0xb8;
	[tilespmem:$0x1C200] =	vst v63  }
0x79: {  	_ =	swait.ge [sflag:s6], $0x4000  }
0x7a: {  	[sflag:s6] =	ssyncset.done $0x0  }
0x7b: {  	s11 =	sadd.s32 s9, s18;
	[sflag:s6] =	ssyncadd.s32 $0xFFFFC000  }
0x7c: {  	[tilespmem:s21], [sflag:$0x3] =	stream.linear.gather [hbm4b:s11+s2], $0x80, $0x38;
	[tilespmem:$0x1C200] =	vst v63  }
0x7d: {  	s11 =	sadd.s32 s9, s17;
	s9 =	sadd.s32 $0x20, s9  }
0x7e: {  	_ =	swait.ge [sflag:s24], $0x80;
	p0 =	sne.s32 s9, $0x4E0  }
.Ltmp3:
0x7f: {  	[sflag:s24] =	ssyncset.done $0x0;
	(pc) =	sbr.rel @p0 .LBB2_2-.Ltmp3, $4  }
.Ltmp4:
0x80: {  	[sflag:s24] =	ssyncadd.s32 $0xFFFFFF80;
	(pc) =	sbr.rel @!p0 .LBB2_5-.Ltmp4, $4  }
0x81: {  	[tilespmem:s25], [sflag:$0x5] =	stream.indirect.gather [hbm4b:s4+s22], $0x80, s2, s22, $0xb8;
	[tilespmem:$0x1C200] =	vst v63  }
0x82: {  	_ = 	snop  }
0x83: {  	[tilespmem:s22], [sflag:$0x2] =	stream.linear.gather [hbm4b:s11+s2], $0x80, $0x38;
	[tilespmem:$0x1C200] =	vst v63  }
0x84: {  	_ = 	snop  }
.LBB2_6:
0x85: {  	_ =	sfence.sel $0x180000  }
0x86: {  	[bflag:$0x0] =	sbarrier.arrive $0xFFFF  }
0x87: {  	_ =	strace $0x9000004A  }
0x88: {  	s0 =	stileid.u32;
	[bflag:$0x2] =	sbarrier.arrive $0xFFFF  }
0x89: {  	p0 =	sne.s32 s0, $0x0;
	s0 =	rddreg [dreg:$0x2]  }
0x8a: {  	s0 =	sadd.s32 @!p0 $0x100000, s0  }
0x8b: {  	[sflag:s0] =	ssyncadd.tile.s32 @!p0 $0x1;
	_ =	shalt  }
.Lfunc_end2:
_tile_overlayer_lowered:
.L_overlay_start_2:
0x8c: {  	(tag) =	ssettag $0x2  }
0x8d: {  	s0 =	rddreg [dreg:$0x0];
	s2 =	stileid.u32  }
0x8e: {  	s1 =	rddreg [dreg:$0x1];
	p0 =	sne.s32 s2, $0x0  }
0x8f: {  	s3 =	rddreg [dreg:$0x2];
	[bflag:$0x3] =	sbarrier.arrive $0xFFFF;
	s2 =	simm.s32 @!p0 $0x1C09  }
0x90: {  	[timem:s3], [sflag:s2] =	dma.local @!p0 [hbm:s0], s1  }
0x91: {  	s0 =	simm.s32 @!p0 $0x9  }
0x92: {  	_ =	swait.ge @!p0 [sflag:s0], s1  }
0x93: {  	s1 =	ssub.s32 @!p0 $0x0, s1;
	[sflag:s0] =	ssyncset.done @!p0 $0x0  }
0x94: {  	[sflag:s0] =	ssyncadd.s32 @!p0 s1  }
0x95: {  	[bflag:$0x3] =	sbarrier.arrive $0xFFFF  }
0x96: {  	_ =	shalt  }

// kernel: kernel.14.cloned.1.call-start
scs
__scs_entry_jumppad:
0x0: {  	(pc) =	sbr.rel $0x88, $3  }
0x1: {  	(tag) =	ssettag $0x0;
	lr =	simm.s32 $0x1  }
0x2: {  	[smem:$0x3F9B] =	sst lr;
	_ =	strace $0xD0000000  }
0x3: {  	_ = 	snop  }
0x4: {  	_ = 	snop  }
0x5: {  	_ = 	snop  }
0x6: {  	_ = 	snop  }
0x7: {  	_ = 	snop  }
__scs_overlays_trampoline_lowered:
0x8: {  	[smem:$0x3FAA] =	sst s0  }
0x9: {  	[smem:$0x3FAB] =	sst s1  }
0xa: {  	[smem:$0x3FAC] =	sst s2  }
0xb: {  	[smem:$0x3FAD] =	sst s3  }
0xc: {  	[smem:$0x3FAE] =	sst s4  }
0xd: {  	[smem:$0x3FAF] =	sst s5  }
0xe: {  	[smem:$0x3FB0] =	sst s6  }
0xf: {  	[smem:$0x3FB1] =	sst s7  }
0x10: {  	[smem:$0x3FB2] =	sst s8  }
0x11: {  	[smem:$0x3FB3] =	sst s9;
	s0 =	simm.s32 @!p0 $0x0  }
0x12: {  	s1 =	sld [smem:$0x3F99];
	s0 =	simm.s32 @p0 $0x1  }
0x13: {  	[smem:$0x3FB4] =	sst s0;
	s0 =	simm.s32 @!p1 $0x0  }
0x14: {  	s2 =	sld [smem:$0x3F98];
	s0 =	simm.s32 @p1 $0x1  }
0x15: {  	[smem:$0x3FB5] =	sst s0;
	s0 =	simm.s32 @!p2 $0x0  }
0x16: {  	s3 =	sld [smem:$0x3FDB];
	s0 =	simm.s32 @p2 $0x1  }
0x17: {  	s4 =	simm.s32 $0x1BF5;
	[smem:$0x3FB7] =	sst s0  }
0x18: {  	s0 =	sld [smem:$0x3F9A];
	_ =	swait.ge [sflag:s4], $0x0  }
0x19: {  	s7 =	sld [smem:$0x3F9B]  }
0x1a: {  	s8 =	sadd.s32 $0xFFFFE003, lr  }
0x1b: {  	s9 =	sadd.s32 $0xFFFFFEF7, lr;
	s5 =	simm.s32 $0xFFFFFFFF;
	p2 =	slt.u32 s8, $0xFFFFF086  }
0x1c: {  	p1 =	slt.u32 s9, $0xF7A;
	s5 =	simm.s32 @!p2 $0x0  }
0x1d: {  	s5 =	simm.s32 @p1 $0x1;
	p0 =	seq.s32 s7, s2  }
0x1e: {  	s7 =	smul.u32 @!p0 $0xF7A, s2;
	p2 =	seq.s32 @!p0 s5, $0x0  }
0x1f: {  	s9 =	smul.u32 $0xF7A, s1;
	s8 =	simm.s32 @!p0 $0x1BF5;
	p2 =	por !p2, p0  }
0x20: {  	[sflag:s8] =	ssyncset.s32 @!p0 $0xFFFFF086;
	s6 =	sadd.s32 @!p0 s3, s7;
	s7 =	simm.s32 @!p0 $0x108  }
0x21: {  	s3 =	sadd.s32 s3, s9;
	s6 =	sadd.s32 @!p0 $0x88, s6;
	s7 =	simm.s32 @p2 $0x1082  }
0x22: {  	[simem:s7], [sflag:s8] =	dma.local @!p0 [hbm:s6], $0xF7A  }
0x23: {  	s9 =	sor.u32 $0xD0000000, s2;
	s6 =	simm.s32 $0x108;
	_ =	swait.ge @!p0 [sflag:s8], $0x0  }
0x24: {  	s3 =	sadd.s32 $0x88, s3;
	s6 =	simm.s32 @!p1 $0x1082;
	[sflag:s4] =	ssyncset.s32 $0xFFFFF086  }
0x25: {  	[simem:s6], [sflag:s4] =	dma.local [hbm:s3], $0xF7A  }
0x26: {  	[smem:$0x3F9B] =	sst s1;
	(tag) =	ssettag s2;
	_ =	strace s9  }
0x27: {  	s1 =	sld [smem:$0x3FAB]  }
0x28: {  	s2 =	sld [smem:$0x3FAC]  }
0x29: {  	s4 =	sld [smem:$0x3FAE]  }
0x2a: {  	p0 =	seq.s32 s5, $0x0;
	s5 =	sld [smem:$0x3FAF]  }
0x2b: {  	s6 =	sld [smem:$0x3FB0]  }
0x2c: {  	s7 =	sld [smem:$0x3FB1]  }
0x2d: {  	s3 =	simm.s32 $0x108;
	s8 =	sld [smem:$0x3FB2]  }
0x2e: {  	s3 =	simm.s32 @!p0 $0x1082;
	s9 =	sld [smem:$0x3FB3]  }
0x2f: {  	lr =	sadd.s32 s0, s3;
	s0 =	sld [smem:$0x3FAA]  }
0x30: {  	s3 =	sld [smem:$0x3FAD]  }
0x31: {  	[smem:$0x3FB6] =	sst s10  }
0x32: {  	s10 =	sld [smem:$0x3FB4];
	_ =	sdelay $0x3  }
0x33: {  	p0 =	seq.s32 s10, $0x1;
	s10 =	sld [smem:$0x3FB6];
	_ =	sdelay $0x3  }
0x34: {  	[smem:$0x3FB6] =	sst s10  }
0x35: {  	s10 =	sld [smem:$0x3FB5];
	_ =	sdelay $0x3  }
0x36: {  	p1 =	seq.s32 s10, $0x1;
	s10 =	sld [smem:$0x3FB6];
	_ =	sdelay $0x3  }
0x37: {  	[smem:$0x3FB6] =	sst s10  }
0x38: {  	s10 =	sld [smem:$0x3FB7]  }
0x39: {  	_ = 	snop;
	(pc) =	sbr.ind lr, $3  }
0x3a: {  	_ = 	snop  }
0x3b: {  	_ = 	snop  }
0x3c: {  	p2 =	seq.s32 s10, $0x1;
	s10 =	sld [smem:$0x3FB6]  }
0x3d: {  	_ =	shalt  }
0x3e: {  	_ =	shalt  }
0x3f: {  	_ =	shalt  }
0x40: {  	_ =	shalt  }
0x41: {  	_ =	shalt  }
0x42: {  	_ =	shalt  }
0x43: {  	_ =	shalt  }
0x44: {  	_ =	shalt  }
0x45: {  	_ =	shalt  }
0x46: {  	_ =	shalt  }
0x47: {  	_ =	shalt  }
0x48: {  	_ =	shalt  }
0x49: {  	_ =	shalt  }
0x4a: {  	_ =	shalt  }
0x4b: {  	_ =	shalt  }
0x4c: {  	_ =	shalt  }
0x4d: {  	_ =	shalt  }
0x4e: {  	_ =	shalt  }
0x4f: {  	_ =	shalt  }
0x50: {  	_ =	shalt  }
0x51: {  	_ =	shalt  }
0x52: {  	_ =	shalt  }
0x53: {  	_ =	shalt  }
0x54: {  	_ =	shalt  }
0x55: {  	_ =	shalt  }
0x56: {  	_ =	shalt  }
0x57: {  	_ =	shalt  }
0x58: {  	_ =	shalt  }
0x59: {  	_ =	shalt  }
0x5a: {  	_ =	shalt  }
0x5b: {  	_ =	shalt  }
0x5c: {  	_ =	shalt  }
0x5d: {  	_ =	shalt  }
0x5e: {  	_ =	shalt  }
0x5f: {  	_ =	shalt  }
0x60: {  	_ =	shalt  }
0x61: {  	_ =	shalt  }
0x62: {  	_ =	shalt  }
0x63: {  	_ =	shalt  }
0x64: {  	_ =	shalt  }
0x65: {  	_ =	shalt  }
0x66: {  	_ =	shalt  }
0x67: {  	_ =	shalt  }
0x68: {  	_ =	shalt  }
0x69: {  	_ =	shalt  }
0x6a: {  	_ =	shalt  }
0x6b: {  	_ =	shalt  }
0x6c: {  	_ =	shalt  }
0x6d: {  	_ =	shalt  }
0x6e: {  	_ =	shalt  }
0x6f: {  	_ =	shalt  }
0x70: {  	_ =	shalt  }
0x71: {  	_ =	shalt  }
0x72: {  	_ =	shalt  }
0x73: {  	_ =	shalt  }
0x74: {  	_ =	shalt  }
0x75: {  	_ =	shalt  }
0x76: {  	_ =	shalt  }
0x77: {  	_ =	shalt  }
0x78: {  	_ =	shalt  }
0x79: {  	_ =	shalt  }
0x7a: {  	_ =	shalt  }
0x7b: {  	_ =	shalt  }
0x7c: {  	_ =	shalt  }
0x7d: {  	_ =	shalt  }
0x7e: {  	_ =	shalt  }
0x7f: {  	_ =	shalt  }
0x80: {  	_ =	shalt  }
0x81: {  	_ =	shalt  }
0x82: {  	_ =	shalt  }
0x83: {  	_ =	shalt  }
0x84: {  	_ =	shalt  }
0x85: {  	_ =	shalt  }
0x86: {  	_ =	shalt  }
0x87: {  	_ =	shalt  }
.Lfunc_end0:
.L_simem_size_0:
called_computation.2_lowered:
.L_overlay_start_0:
0x88: {  	s2 =	sld [smem:$0x3FD9]  }
0x89: {  	s3 =	sld [smem:$0x3FFE];
	_ =	sdelay $0x1  }
0x8a: {  	s1 =	srdreg.scid  }
0x8b: {  	s0 =	sand.u32 $0x1, s1  }
0x8c: {  	s16 =	sshll.u32 s0, $0xA;
	s2 =	sadd.s32 s3, s2  }
0x8d: {  	s2 =	sadd.s32 s2, s16  }
0x8e: {  	[smem:$0x3FC2] =	sst s2  }
0x8f: {  	_ = 	snop  }
0x90: {  	(tm) =	ssettm $0x1  }
0x91: {  	s17 =	sld [smem:$0x3FFB];
	_ =	sdelay $0x3  }
0x92: {  	_ =	strace s17  }
0x93: {  	s2 =	sld [smem:$0x3FFC];
	_ =	sdelay $0x3  }
0x94: {  	_ =	strace s2  }
0x95: {  	s2 =	sld [smem:$0x3FFD];
	_ =	sdelay $0x3  }
0x96: {  	_ =	strace s2  }
0x97: {  	_ =	strace $0x8FFFFFFF  }
0x98: {  	s18 =	sld [smem:$0x3FDB];
	_ =	sdelay $0x1  }
0x99: {  	s19 =	simm.s32 $_scs_section_size  }
0x9a: {  	s4 =	simm.s32 $_size__tile_overlayer_lowered;
	s5 =	simm.s32 $_tile_overlayer_lowered  }
0x9b: {  	s22 =	simm.s32 $0x1BFF;
	s21 =	sshll.u32 s5, $0x1;
	s2 =	sadd.s32 s19, s18  }
0x9c: {  	s6 =	simm.s32 $0x0;
	s20 =	sshll.u32 s4, $0x1;
	s4 =	sadd.s32 s21, s2  }
0x9d: {  	[timem:s6], [sflag:s22] =	dma.local [hbm:s4], s20  }
0x9e: {  	_ =	swait.ge [sflag:s22], s20  }
0x9f: {  	s3 =	ssub.s32 $0x0, s20;
	[sflag:s22] =	ssyncset.done $0x0  }
0xa0: {  	[sflag:s22] =	ssyncadd.s32 s3;
	_ =	sdelay $0x1  }
0xa1: {  	s23 =	simm.s32 $0x1B8B  }
0xa2: {  	_ =	swait.ge [sflag:s23], $0x1  }
0xa3: {  	[sflag:s23] =	ssyncset.done $0x0  }
0xa4: {  	s25 =	simm.s32 $0x1B8E;
	s24 =	sld [smem:$0x3FFE];
	[sflag:s23] =	ssyncadd.s32 $0xFFFFFFFF  }
0xa5: {  	s26 =	simm.s32 $execute0_lowered;
	[smem:$0x3FD2] =	sst s25  }
0xa6: {  	s4 =	sshll.u32 s26, $0x1;
	_ =	strace $0x8000004C;
	[dreg:$0x1] =	wrdreg $0xFFFFFFFF  }
0xa7: {  	s28 =	simm.s32 $_size_execute0_lowered;
	s2 =	sadd.s32 s2, s4;
	[dreg:$0x0] =	wrdreg $0x0  }
0xa8: {  	s4 =	sshll.u32 s28, $0x1;
	[dreg:$0x2] =	wrdreg s2  }
0xa9: {  	[dreg:$0x3] =	wrdreg s4  }
0xaa: {  	[dreg:$0x4] =	wrdreg $0xC0  }
0xab: {  	_ =	task [dreg:s6], $0x5FFFF  }
0xac: {  	[dreg:$0x1] =	wrdreg $0xFFFFFFFF  }
0xad: {  	[dreg:$0x0] =	wrdreg $0x60  }
0xae: {  	[dreg:$0x2] =	wrdreg s24  }
0xaf: {  	[dreg:$0x3] =	wrdreg $0x82000  }
0xb0: {  	[dreg:$0x4] =	wrdreg $0x9  }
0xb1: {  	_ =	task.clear_ibuf [dreg:s6], $0x5FFFF;
	_ =	strace $0x9000004C  }
0xb2: {  	s29 =	simm.s32 $0x9;
	_ =	strace $0x8000004E  }
0xb3: {  	_ =	swait.ge [sflag:s29], $0x1  }
0xb4: {  	[sflag:s29] =	ssyncadd.s32 $0xFFFFFFFF  }
0xb5: {  	_ =	strace $0x9000004E  }
0xb6: {  	_ =	sfence  }
0xb7: {  	s30 =	sld [smem:$0x0];
	_ =	sdelay $0x2  }
0xb8: {  	s31 =	sshll.u32 s1, $0xD;
	s1 =	sshrl.u32 s1, $0x2  }
0xb9: {  	s3 =	sand.u32 $0x4000, s31;
	s1 =	sadd.s32 s1, s30  }
0xba: {  	s0 =	sor.u32 s3, s0;
	s1 =	sshll.u32 s1, $0x11  }
0xbb: {  	s0 =	sor.u32 s1, s0  }
0xbc: {  	s0 =	sadd.s32 $0x8F2B, s0  }
0xbd: {  	[sflag:s0] =	ssyncadd.remote.s32 $0x1  }
0xbe: {  	_ =	sfence.sel $0xFFFF  }
0xbf: {  	[dreg:$0x0] =	wrdreg $0xFFFFFFFF;
	(pc) =	sbr.abs _section_cstart, $3  }
0xc0: {  	[dreg:$0x1] =	wrdreg $0xFFFFFFFF  }
0xc1: {  	_ =	task.clear_ibuf [dreg:s6], $0x2FFFF;
	_ =	strace $0x9FFFFFFF  }
0xc2: {  	(tm) =	ssettm $0x7FFFFFFF  }
0xc3: {  	_ =	shalt  }
tec
execute0_lowered:
.L_overlay_start_1:
0x0: {  	(tag) =	ssettag $0x1  }
0x1: {  	s0 =	rddreg [dreg:$0x0]  }
0x2: {  	s1 =	rddreg [dreg:$0x1];
	s2 =	simm.s32 $0x0  }
0x3: {  	s3 =	srdreg.scid;
	s13 =	stileid.u32;
	s28 =	simm.s32 $0x3  }
0x4: {  	s29 =	simm.s32 $0x180;
	s30 =	simm.s32 $0x2;
	s31 =	simm.s32 $0x4200  }
0x5: {  	[smem:$0x7FF] =	sst s2;
	s4 =	sadd.s32 $0x16400, s0;
	s5 =	smul.u32 $0x2800, s13  }
0x6: {  	s3 =	sand.u32 $0x1, s3;
	s6 =	sshll.u32 s13, $0x1;
	s12 =	smul.u32 $0x50000, s13  }
0x7: {  	s7 =	sadd.s32 $0x2400, s0;
	s9 =	sadd.s32 $0xC400, s0;
	s15 =	smul.u32 $0x5000, s13  }
0x8: {  	s19 =	sshll.u32 s13, $0x6;
	_ =	strace $0x8000004D;
	s8 =	smul.u32 $0x28000, s3  }
0x9: {  	s6 =	sor.u32 s3, s6;
	s10 =	ssub.s32 $0x2, s3;
	s3 =	smul.u32 $0x2800, s3  }
0xa: {  	s6 =	smul.u32 $0x2800, s6;
	s11 =	sshrl.u32 s10, $0x1;
	s18 =	sshrl.u32 s12, $0x2  }
0xb: {  	s8 =	sadd.s32 s5, s8;
	s26 =	ssub.s32 s10, s11;
	s5 =	sadd.s32 s4, s5  }
0xc: {  	s3 =	sadd.s32 s3, s15;
	s0 =	sadd.s32 s8, s0;
	s16 =	sshrl.u32 s6, $0x3  }
0xd: {  	[dreg:$0x7] =	wrdreg s5;
	s20 =	sor.u32 $0x80, s6;
	s14 =	sor.u32 $0x100, s6  }
0xe: {  	s6 =	sor.u32 $0x180, s6;
	s12 =	smax.u32 s26, $0x1;
	s24 =	sor.u32 $0x280, s3  }
0xf: {  	s25 =	sor.u32 $0x200, s3;
	s3 =	sor.u32 $0x180, s3;
	s8 =	simm.s32 $0x0  }
0x10: {  	s17 =	sadd.s32 s7, s16;
	s10 =	sadd.s32 s9, s16;
	s0 =	sadd.s32 $0x3E400, s0  }
0x11: {  	s21 =	sshrl.u32 s20, $0x3;
	s22 =	sshrl.u32 s14, $0x3;
	s23 =	sshrl.u32 s6, $0x3  }
0x12: {  	s26 =	sshrl.u32 s25, $0x3;
	s3 =	sshrl.u32 s3, $0x3;
	[dreg:$0x4] =	wrdreg s10  }
0x13: {  	s25 =	simm.s32 $0x200;
	s6 =	simm.s32 $0x7;
	[dreg:$0x3] =	wrdreg s17  }
0x14: {  	s11 =	sadd.s32 $0x10, s17;
	s10 =	sadd.s32 s18, s1;
	[dreg:$0x8] =	wrdreg s0  }
0x15: {  	s13 =	sadd.s32 s9, s21;
	s14 =	sadd.s32 s7, s22;
	s15 =	sadd.s32 s9, s22  }
0x16: {  	s16 =	sadd.s32 s7, s23;
	s0 =	sshrl.u32 s24, $0x3;
	s18 =	sadd.s32 s26, s9  }
.Ltmp0:
0x17: {  	s20 =	sadd.s32 s3, s9;
	s21 =	simm.s32 $0x100;
	(pc) =	sbr.rel .LBB2_1-.Ltmp0, $4  }
0x18: {  	s22 =	simm.s32 $0x80;
	s23 =	simm.s32 $0x9;
	[dreg:$0x5] =	wrdreg s11  }
0x19: {  	s24 =	simm.s32 $0x1;
	s3 =	simm.s32 $0x4;
	[dreg:$0x6] =	wrdreg s10  }
0x1a: {  	s10 =	sor.u32 $0x1C09, s19;
	s17 =	sadd.s32 s0, s7;
	s19 =	sadd.s32 s26, s7  }
0x1b: {  	s26 =	simm.s32 $0x5;
	s0 =	simm.s32 $0x6;
	s7 =	simm.s32 $0x8  }
.LBB2_3:
0x1c: {  	_ =	swait.ge [sflag:s0], $0x4000  }
0x1d: {  	[sflag:s0] =	ssyncset.done $0x0  }
0x1e: {  	[sflag:s0] =	ssyncadd.s32 $0xFFFFC000  }
0x1f: {  	_ =	swait.ge [sflag:s3], $0x80  }
0x20: {  	[sflag:s3] =	ssyncset.done $0x0  }
0x21: {  	[sflag:s3] =	ssyncadd.s32 $0xFFFFFF80  }
0x22: {  	[spmem:s1] =	stream.indirect.scatter.add.f32 [tilespmem:s31], [sflag:$0x8], $0x80, s29, s22, $0xb8;
	[tilespmem:$0x1C200] =	vst v63  }
0x23: {  	_ =	swait.ge [sflag:s6], $0x4000  }
0x24: {  	[sflag:s6] =	ssyncset.done $0x0  }
0x25: {  	[sflag:s6] =	ssyncadd.s32 $0xFFFFC000  }
.LBB2_5:
0x26: {  	_ =	swait.ge [sflag:s7], $0x4000  }
0x27: {  	[sflag:s7] =	ssyncset.done $0x0  }
0x28: {  	s8 =	sadd.s32 $0x1, s8;
	[sflag:s7] =	ssyncadd.s32 $0xFFFFC000  }
0x29: {  	p0 =	sne.s32 s8, s12;
	[bflag:$0x0] =	sbarrier.arrive $0xFFFF  }
.Ltmp1:
0x2a: {  	s9 =	rddreg [dreg:$0x8];
	(pc) =	sbr.rel @!p0 .LBB2_6-.Ltmp1, $4  }
0x2b: {  	[hbm:s9], [sflag:s10] =	dma.local [spmem:s5], $0x2800  }
0x2c: {  	_ =	swait.ge [sflag:s23], $0x2800  }
0x2d: {  	[sflag:s23] =	ssyncset.done $0x0  }
0x2e: {  	[sflag:s23] =	ssyncadd.s32 $0xFFFFD800  }
.LBB2_1:
0x2f: {  	s5 =	rddreg [dreg:$0x3]  }
0x30: {  	s11 =	rddreg [dreg:$0x4]  }
0x31: {  	[tilespmem:s2], [sflag:$0x1] =	stream.linear.gather [hbm4b:s5+s2], $0x80, $0x38;
	[tilespmem:$0x1C200] =	vst v63  }
0x32: {  	s9 =	rddreg [dreg:$0x5]  }
0x33: {  	[tilespmem:s21], [sflag:$0x3] =	stream.linear.gather [hbm4b:s11+s2], $0x80, $0x38;
	[tilespmem:$0x1C200] =	vst v63  }
0x34: {  	s11 =	rddreg [dreg:$0x6]  }
0x35: {  	[tilespmem:s22], [sflag:$0x2] =	stream.linear.gather [hbm4b:s9+s2], $0x80, $0x38;
	[tilespmem:$0x1C200] =	vst v63  }
0x36: {  	s5 =	sshrl.u32 s11, $0x3;
	s9 =	rddreg [dreg:$0x7]  }
0x37: {  	[spmem:s5], [sflag:s10] =	dma.local [hbm:s9], $0x2800  }
0x38: {  	_ =	swait.ge [sflag:s23], $0x2800  }
0x39: {  	[sflag:s23] =	ssyncset.done $0x0  }
0x3a: {  	[sflag:s23] =	ssyncadd.s32 $0xFFFFD800  }
0x3b: {  	_ =	swait.ge [sflag:s24], $0x80  }
0x3c: {  	[sflag:s24] =	ssyncset.done $0x0  }
0x3d: {  	[sflag:s24] =	ssyncadd.s32 $0xFFFFFF80  }
0x3e: {  	[tilespmem:s25], [sflag:$0x5] =	stream.indirect.gather [hbm4b:s4+s22], $0x80, s2, s22, $0xb8;
	[tilespmem:$0x1C200] =	vst v63  }
0x3f: {  	[bflag:$0x0] =	sbarrier.arrive $0xFFFF  }
0x40: {  	_ =	swait.ge [sflag:s26], $0x4000  }
0x41: {  	[sflag:s26] =	ssyncset.done $0x0  }
0x42: {  	[sflag:s26] =	ssyncadd.s32 $0xFFFFC000  }
0x43: {  	_ =	swait.ge [sflag:s28], $0x80  }
0x44: {  	[sflag:s28] =	ssyncset.done $0x0  }
0x45: {  	[sflag:s28] =	ssyncadd.s32 $0xFFFFFF80  }
0x46: {  	[spmem:s1] =	stream.indirect.scatter.add.f32 [tilespmem:s25], [sflag:$0x7], $0x80, s21, s22, $0xb8;
	[tilespmem:$0x1C200] =	vst v63  }
0x47: {  	_ = 	snop  }
0x48: {  	[tilespmem:s29], [sflag:$0x4] =	stream.linear.gather [hbm4b:s13+s2], $0x80, $0x38;
	[tilespmem:$0x1C200] =	vst v63  }
0x49: {  	_ =	swait.ge [sflag:s30], $0x80  }
0x4a: {  	[sflag:s30] =	ssyncset.done $0x0  }
0x4b: {  	[sflag:s30] =	ssyncadd.s32 $0xFFFFFF80  }
0x4c: {  	[tilespmem:s31], [sflag:$0x6] =	stream.indirect.gather [hbm4b:s4+s22], $0x80, s22, s22, $0xb8;
	[tilespmem:$0x1C200] =	vst v63  }
0x4d: {  	_ = 	snop  }
0x4e: {  	[tilespmem:s2], [sflag:$0x1] =	stream.linear.gather [hbm4b:s14+s2], $0x80, $0x38;
	[tilespmem:$0x1C200] =	vst v63  }
0x4f: {  	_ =	swait.ge [sflag:s0], $0x4000  }
0x50: {  	[sflag:s0] =	ssyncset.done $0x0  }
0x51: {  	[sflag:s0] =	ssyncadd.s32 $0xFFFFC000  }
0x52: {  	_ =	swait.ge [sflag:s3], $0x80  }
0x53: {  	[sflag:s3] =	ssyncset.done $0x0  }
0x54: {  	[sflag:s3] =	ssyncadd.s32 $0xFFFFFF80  }
0x55: {  	[spmem:s1] =	stream.indirect.scatter.add.f32 [tilespmem:s31], [sflag:$0x8], $0x80, s29, s22, $0xb8;
	[tilespmem:$0x1C200] =	vst v63  }
0x56: {  	_ =	swait.ge [sflag:s6], $0x4000  }
0x57: {  	[sflag:s6] =	ssyncset.done $0x0  }
0x58: {  	[sflag:s6] =	ssyncadd.s32 $0xFFFFC000  }
0x59: {  	[tilespmem:s21], [sflag:$0x3] =	stream.linear.gather [hbm4b:s15+s2], $0x80, $0x38;
	[tilespmem:$0x1C200] =	vst v63  }
0x5a: {  	_ =	swait.ge [sflag:s24], $0x80  }
0x5b: {  	[sflag:s24] =	ssyncset.done $0x0  }
0x5c: {  	[sflag:s24] =	ssyncadd.s32 $0xFFFFFF80  }
0x5d: {  	[tilespmem:s25], [sflag:$0x5] =	stream.indirect.gather [hbm4b:s4+s22], $0x80, s2, s22, $0xb8;
	[tilespmem:$0x1C200] =	vst v63  }
0x5e: {  	s9 =	simm.s32 $0x0  }
0x5f: {  	[tilespmem:s22], [sflag:$0x2] =	stream.linear.gather [hbm4b:s16+s2], $0x80, $0x38;
	[tilespmem:$0x1C200] =	vst v63  }
.LBB2_2:
0x60: {  	_ =	swait.ge [sflag:s26], $0x4000  }
0x61: {  	[sflag:s26] =	ssyncset.done $0x0  }
0x62: {  	[sflag:s26] =	ssyncadd.s32 $0xFFFFC000  }
0x63: {  	_ =	swait.ge [sflag:s28], $0x80  }
0x64: {  	[sflag:s28] =	ssyncset.done $0x0  }
0x65: {  	[sflag:s28] =	ssyncadd.s32 $0xFFFFFF80  }
0x66: {  	[spmem:s1] =	stream.indirect.scatter.add.f32 [tilespmem:s25], [sflag:$0x7], $0x80, s21, s22, $0xb8;
	[tilespmem:$0x1C200] =	vst v63  }
0x67: {  	_ =	swait.ge [sflag:s7], $0x4000  }
0x68: {  	[sflag:s7] =	ssyncset.done $0x0  }
0x69: {  	s11 =	sadd.s32 s9, s20;
	p0 =	sne.s32 s9, $0x4C0;
	[sflag:s7] =	ssyncadd.s32 $0xFFFFC000  }
0x6a: {  	[tilespmem:s29], [sflag:$0x4] =	stream.linear.gather [hbm4b:s11+s2], $0x80, $0x38;
	[tilespmem:$0x1C200] =	vst v63  }
.Ltmp2:
0x6b: {  	_ = 	snop;
	(pc) =	sbr.rel @!p0 .LBB2_3-.Ltmp2, $4  }
0x6c: {  	_ =	swait.ge [sflag:s30], $0x80  }
0x6d: {  	[sflag:s30] =	ssyncset.done $0x0  }
0x6e: {  	[sflag:s30] =	ssyncadd.s32 $0xFFFFFF80  }
0x6f: {  	[tilespmem:s31], [sflag:$0x6] =	stream.indirect.gather [hbm4b:s4+s22], $0x80, s22, s22, $0xb8;
	[tilespmem:$0x1C200] =	vst v63  }
0x70: {  	s11 =	sadd.s32 s9, s19  }
0x71: {  	[tilespmem:s2], [sflag:$0x1] =	stream.linear.gather [hbm4b:s11+s2], $0x80, $0x38;
	[tilespmem:$0x1C200] =	vst v63  }
0x72: {  	_ =	swait.ge [sflag:s0], $0x4000  }
0x73: {  	[sflag:s0] =	ssyncset.done $0x0  }
0x74: {  	[sflag:s0] =	ssyncadd.s32 $0xFFFFC000  }
0x75: {  	_ =	swait.ge [sflag:s3], $0x80  }
0x76: {  	[sflag:s3] =	ssyncset.done $0x0  }
0x77: {  	[sflag:s3] =	ssyncadd.s32 $0xFFFFFF80  }
0x78: {  	[spmem:s1] =	stream.indirect.scatter.add.f32 [tilespmem:s31], [sflag:$0x8], $0x80, s29, s22, $0xb8;
	[tilespmem:$0x1C200] =	vst v63  }
0x79: {  	_ =	swait.ge [sflag:s6], $0x4000  }
0x7a: {  	[sflag:s6] =	ssyncset.done $0x0  }
0x7b: {  	s11 =	sadd.s32 s9, s18;
	[sflag:s6] =	ssyncadd.s32 $0xFFFFC000  }
0x7c: {  	[tilespmem:s21], [sflag:$0x3] =	stream.linear.gather [hbm4b:s11+s2], $0x80, $0x38;
	[tilespmem:$0x1C200] =	vst v63  }
0x7d: {  	s11 =	sadd.s32 s9, s17;
	s9 =	sadd.s32 $0x20, s9  }
0x7e: {  	_ =	swait.ge [sflag:s24], $0x80;
	p0 =	sne.s32 s9, $0x4E0  }
.Ltmp3:
0x7f: {  	[sflag:s24] =	ssyncset.done $0x0;
	(pc) =	sbr.rel @p0 .LBB2_2-.Ltmp3, $4  }
.Ltmp4:
0x80: {  	[sflag:s24] =	ssyncadd.s32 $0xFFFFFF80;
	(pc) =	sbr.rel @!p0 .LBB2_5-.Ltmp4, $4  }
0x81: {  	[tilespmem:s25], [sflag:$0x5] =	stream.indirect.gather [hbm4b:s4+s22], $0x80, s2, s22, $0xb8;
	[tilespmem:$0x1C200] =	vst v63  }
0x82: {  	_ = 	snop  }
0x83: {  	[tilespmem:s22], [sflag:$0x2] =	stream.linear.gather [hbm4b:s11+s2], $0x80, $0x38;
	[tilespmem:$0x1C200] =	vst v63  }
0x84: {  	_ = 	snop  }
.LBB2_6:
0x85: {  	_ =	sfence.sel $0x180000  }
0x86: {  	[bflag:$0x0] =	sbarrier.arrive $0xFFFF  }
0x87: {  	_ =	strace $0x9000004D  }
0x88: {  	s0 =	stileid.u32;
	[bflag:$0x2] =	sbarrier.arrive $0xFFFF  }
0x89: {  	p0 =	sne.s32 s0, $0x0;
	s0 =	rddreg [dreg:$0x2]  }
0x8a: {  	s0 =	sadd.s32 @!p0 $0x100000, s0  }
0x8b: {  	[sflag:s0] =	ssyncadd.tile.s32 @!p0 $0x1;
	_ =	shalt  }
.Lfunc_end2:
_tile_overlayer_lowered:
.L_overlay_start_2:
0x8c: {  	(tag) =	ssettag $0x2  }
0x8d: {  	s0 =	rddreg [dreg:$0x0];
	s2 =	stileid.u32  }
0x8e: {  	s1 =	rddreg [dreg:$0x1];
	p0 =	sne.s32 s2, $0x0  }
0x8f: {  	s3 =	rddreg [dreg:$0x2];
	[bflag:$0x3] =	sbarrier.arrive $0xFFFF;
	s2 =	simm.s32 @!p0 $0x1C09  }
0x90: {  	[timem:s3], [sflag:s2] =	dma.local @!p0 [hbm:s0], s1  }
0x91: {  	s0 =	simm.s32 @!p0 $0x9  }
0x92: {  	_ =	swait.ge @!p0 [sflag:s0], s1  }
0x93: {  	s1 =	ssub.s32 @!p0 $0x0, s1;
	[sflag:s0] =	ssyncset.done @!p0 $0x0  }
0x94: {  	[sflag:s0] =	ssyncadd.s32 @!p0 s1  }
0x95: {  	[bflag:$0x3] =	sbarrier.arrive $0xFFFF  }
0x96: {  	_ =	shalt  }

// kernel: kernel.8.cloned.1.call-start
scs
__scs_entry_jumppad:
0x0: {  	(pc) =	sbr.rel $0x88, $3  }
0x1: {  	(tag) =	ssettag $0x0;
	lr =	simm.s32 $0x1  }
0x2: {  	[smem:$0x3F9B] =	sst lr;
	_ =	strace $0xD0000000  }
0x3: {  	_ = 	snop  }
0x4: {  	_ = 	snop  }
0x5: {  	_ = 	snop  }
0x6: {  	_ = 	snop  }
0x7: {  	_ = 	snop  }
__scs_overlays_trampoline_lowered:
0x8: {  	[smem:$0x3FAA] =	sst s0  }
0x9: {  	[smem:$0x3FAB] =	sst s1  }
0xa: {  	[smem:$0x3FAC] =	sst s2  }
0xb: {  	[smem:$0x3FAD] =	sst s3  }
0xc: {  	[smem:$0x3FAE] =	sst s4  }
0xd: {  	[smem:$0x3FAF] =	sst s5  }
0xe: {  	[smem:$0x3FB0] =	sst s6  }
0xf: {  	[smem:$0x3FB1] =	sst s7  }
0x10: {  	[smem:$0x3FB2] =	sst s8  }
0x11: {  	[smem:$0x3FB3] =	sst s9;
	s0 =	simm.s32 @!p0 $0x0  }
0x12: {  	s1 =	sld [smem:$0x3F99];
	s0 =	simm.s32 @p0 $0x1  }
0x13: {  	[smem:$0x3FB4] =	sst s0;
	s0 =	simm.s32 @!p1 $0x0  }
0x14: {  	s2 =	sld [smem:$0x3F98];
	s0 =	simm.s32 @p1 $0x1  }
0x15: {  	[smem:$0x3FB5] =	sst s0;
	s0 =	simm.s32 @!p2 $0x0  }
0x16: {  	s3 =	sld [smem:$0x3FDB];
	s0 =	simm.s32 @p2 $0x1  }
0x17: {  	s4 =	simm.s32 $0x1BF5;
	[smem:$0x3FB7] =	sst s0  }
0x18: {  	s0 =	sld [smem:$0x3F9A];
	_ =	swait.ge [sflag:s4], $0x0  }
0x19: {  	s7 =	sld [smem:$0x3F9B]  }
0x1a: {  	s8 =	sadd.s32 $0xFFFFE003, lr  }
0x1b: {  	s9 =	sadd.s32 $0xFFFFFEF7, lr;
	s5 =	simm.s32 $0xFFFFFFFF;
	p2 =	slt.u32 s8, $0xFFFFF086  }
0x1c: {  	p1 =	slt.u32 s9, $0xF7A;
	s5 =	simm.s32 @!p2 $0x0  }
0x1d: {  	s5 =	simm.s32 @p1 $0x1;
	p0 =	seq.s32 s7, s2  }
0x1e: {  	s7 =	smul.u32 @!p0 $0xF7A, s2;
	p2 =	seq.s32 @!p0 s5, $0x0  }
0x1f: {  	s9 =	smul.u32 $0xF7A, s1;
	s8 =	simm.s32 @!p0 $0x1BF5;
	p2 =	por !p2, p0  }
0x20: {  	[sflag:s8] =	ssyncset.s32 @!p0 $0xFFFFF086;
	s6 =	sadd.s32 @!p0 s3, s7;
	s7 =	simm.s32 @!p0 $0x108  }
0x21: {  	s3 =	sadd.s32 s3, s9;
	s6 =	sadd.s32 @!p0 $0x88, s6;
	s7 =	simm.s32 @p2 $0x1082  }
0x22: {  	[simem:s7], [sflag:s8] =	dma.local @!p0 [hbm:s6], $0xF7A  }
0x23: {  	s9 =	sor.u32 $0xD0000000, s2;
	s6 =	simm.s32 $0x108;
	_ =	swait.ge @!p0 [sflag:s8], $0x0  }
0x24: {  	s3 =	sadd.s32 $0x88, s3;
	s6 =	simm.s32 @!p1 $0x1082;
	[sflag:s4] =	ssyncset.s32 $0xFFFFF086  }
0x25: {  	[simem:s6], [sflag:s4] =	dma.local [hbm:s3], $0xF7A  }
0x26: {  	[smem:$0x3F9B] =	sst s1;
	(tag) =	ssettag s2;
	_ =	strace s9  }
0x27: {  	s1 =	sld [smem:$0x3FAB]  }
0x28: {  	s2 =	sld [smem:$0x3FAC]  }
0x29: {  	s4 =	sld [smem:$0x3FAE]  }
0x2a: {  	p0 =	seq.s32 s5, $0x0;
	s5 =	sld [smem:$0x3FAF]  }
0x2b: {  	s6 =	sld [smem:$0x3FB0]  }
0x2c: {  	s7 =	sld [smem:$0x3FB1]  }
0x2d: {  	s3 =	simm.s32 $0x108;
	s8 =	sld [smem:$0x3FB2]  }
0x2e: {  	s3 =	simm.s32 @!p0 $0x1082;
	s9 =	sld [smem:$0x3FB3]  }
0x2f: {  	lr =	sadd.s32 s0, s3;
	s0 =	sld [smem:$0x3FAA]  }
0x30: {  	s3 =	sld [smem:$0x3FAD]  }
0x31: {  	[smem:$0x3FB6] =	sst s10  }
0x32: {  	s10 =	sld [smem:$0x3FB4];
	_ =	sdelay $0x3  }
0x33: {  	p0 =	seq.s32 s10, $0x1;
	s10 =	sld [smem:$0x3FB6];
	_ =	sdelay $0x3  }
0x34: {  	[smem:$0x3FB6] =	sst s10  }
0x35: {  	s10 =	sld [smem:$0x3FB5];
	_ =	sdelay $0x3  }
0x36: {  	p1 =	seq.s32 s10, $0x1;
	s10 =	sld [smem:$0x3FB6];
	_ =	sdelay $0x3  }
0x37: {  	[smem:$0x3FB6] =	sst s10  }
0x38: {  	s10 =	sld [smem:$0x3FB7]  }
0x39: {  	_ = 	snop;
	(pc) =	sbr.ind lr, $3  }
0x3a: {  	_ = 	snop  }
0x3b: {  	_ = 	snop  }
0x3c: {  	p2 =	seq.s32 s10, $0x1;
	s10 =	sld [smem:$0x3FB6]  }
0x3d: {  	_ =	shalt  }
0x3e: {  	_ =	shalt  }
0x3f: {  	_ =	shalt  }
0x40: {  	_ =	shalt  }
0x41: {  	_ =	shalt  }
0x42: {  	_ =	shalt  }
0x43: {  	_ =	shalt  }
0x44: {  	_ =	shalt  }
0x45: {  	_ =	shalt  }
0x46: {  	_ =	shalt  }
0x47: {  	_ =	shalt  }
0x48: {  	_ =	shalt  }
0x49: {  	_ =	shalt  }
0x4a: {  	_ =	shalt  }
0x4b: {  	_ =	shalt  }
0x4c: {  	_ =	shalt  }
0x4d: {  	_ =	shalt  }
0x4e: {  	_ =	shalt  }
0x4f: {  	_ =	shalt  }
0x50: {  	_ =	shalt  }
0x51: {  	_ =	shalt  }
0x52: {  	_ =	shalt  }
0x53: {  	_ =	shalt  }
0x54: {  	_ =	shalt  }
0x55: {  	_ =	shalt  }
0x56: {  	_ =	shalt  }
0x57: {  	_ =	shalt  }
0x58: {  	_ =	shalt  }
0x59: {  	_ =	shalt  }
0x5a: {  	_ =	shalt  }
0x5b: {  	_ =	shalt  }
0x5c: {  	_ =	shalt  }
0x5d: {  	_ =	shalt  }
0x5e: {  	_ =	shalt  }
0x5f: {  	_ =	shalt  }
0x60: {  	_ =	shalt  }
0x61: {  	_ =	shalt  }
0x62: {  	_ =	shalt  }
0x63: {  	_ =	shalt  }
0x64: {  	_ =	shalt  }
0x65: {  	_ =	shalt  }
0x66: {  	_ =	shalt  }
0x67: {  	_ =	shalt  }
0x68: {  	_ =	shalt  }
0x69: {  	_ =	shalt  }
0x6a: {  	_ =	shalt  }
0x6b: {  	_ =	shalt  }
0x6c: {  	_ =	shalt  }
0x6d: {  	_ =	shalt  }
0x6e: {  	_ =	shalt  }
0x6f: {  	_ =	shalt  }
0x70: {  	_ =	shalt  }
0x71: {  	_ =	shalt  }
0x72: {  	_ =	shalt  }
0x73: {  	_ =	shalt  }
0x74: {  	_ =	shalt  }
0x75: {  	_ =	shalt  }
0x76: {  	_ =	shalt  }
0x77: {  	_ =	shalt  }
0x78: {  	_ =	shalt  }
0x79: {  	_ =	shalt  }
0x7a: {  	_ =	shalt  }
0x7b: {  	_ =	shalt  }
0x7c: {  	_ =	shalt  }
0x7d: {  	_ =	shalt  }
0x7e: {  	_ =	shalt  }
0x7f: {  	_ =	shalt  }
0x80: {  	_ =	shalt  }
0x81: {  	_ =	shalt  }
0x82: {  	_ =	shalt  }
0x83: {  	_ =	shalt  }
0x84: {  	_ =	shalt  }
0x85: {  	_ =	shalt  }
0x86: {  	_ =	shalt  }
0x87: {  	_ =	shalt  }
.Lfunc_end0:
.L_simem_size_0:
called_computation_lowered:
.L_overlay_start_0:
0x88: {  	s2 =	sld [smem:$0x3FD9]  }
0x89: {  	s3 =	sld [smem:$0x3FFE];
	_ =	sdelay $0x1  }
0x8a: {  	s1 =	srdreg.scid  }
0x8b: {  	s0 =	sand.u32 $0x1, s1  }
0x8c: {  	s17 =	sshll.u32 s0, $0xA;
	s2 =	sadd.s32 s3, s2  }
0x8d: {  	s2 =	sadd.s32 s2, s17  }
0x8e: {  	[smem:$0x3FC2] =	sst s2  }
0x8f: {  	_ = 	snop  }
0x90: {  	s2 =	sld [smem:$0x3FD0];
	(tm) =	ssettm $0x1  }
0x91: {  	s18 =	sld [smem:$0x3FFB];
	_ =	sdelay $0x3  }
0x92: {  	_ =	strace s18  }
0x93: {  	s3 =	sld [smem:$0x3FFC];
	_ =	sdelay $0x3  }
0x94: {  	_ =	strace s3  }
0x95: {  	s3 =	sld [smem:$0x3FFD];
	_ =	sdelay $0x3  }
0x96: {  	_ =	strace s3  }
0x97: {  	_ =	strace $0x8FFFFFFF  }
0x98: {  	s19 =	sld [smem:$0x3FDB];
	_ =	sdelay $0x1  }
0x99: {  	s4 =	simm.s32 $_scs_section_size  }
0x9a: {  	s5 =	simm.s32 $_size__tile_overlayer_lowered;
	s6 =	simm.s32 $_tile_overlayer_lowered  }
0x9b: {  	s22 =	simm.s32 $0x1BFF;
	s21 =	sshll.u32 s6, $0x1;
	s3 =	sadd.s32 s4, s19  }
0x9c: {  	s7 =	simm.s32 $0x0;
	s20 =	sshll.u32 s5, $0x1;
	s5 =	sadd.s32 s21, s3  }
0x9d: {  	[timem:s7], [sflag:s22] =	dma.local [hbm:s5], s20  }
0x9e: {  	_ =	swait.ge [sflag:s22], s20  }
0x9f: {  	s4 =	ssub.s32 $0x0, s20;
	[sflag:s22] =	ssyncset.done $0x0  }
0xa0: {  	[sflag:s22] =	ssyncadd.s32 s4;
	_ =	sdelay $0x1  }
0xa1: {  	s23 =	simm.s32 $0x1B8B  }
0xa2: {  	_ =	swait.ge [sflag:s23], $0x1  }
0xa3: {  	[sflag:s23] =	ssyncset.done $0x0  }
0xa4: {  	s25 =	simm.s32 $0x1B8E;
	s24 =	sld [smem:$0x3FFE];
	[sflag:s23] =	ssyncadd.s32 $0xFFFFFFFF  }
0xa5: {  	s26 =	simm.s32 $execute0_lowered;
	[smem:$0x3FD2] =	sst s25  }
0xa6: {  	s5 =	sshll.u32 s26, $0x1;
	_ =	strace $0x80000046;
	[dreg:$0x1] =	wrdreg $0xFFFFFFFF  }
0xa7: {  	s28 =	simm.s32 $_size_execute0_lowered;
	s3 =	sadd.s32 s3, s5;
	[dreg:$0x0] =	wrdreg $0x0  }
0xa8: {  	s5 =	sshll.u32 s28, $0x1;
	[dreg:$0x2] =	wrdreg s3  }
0xa9: {  	[dreg:$0x3] =	wrdreg s5  }
0xaa: {  	[dreg:$0x4] =	wrdreg $0xC0  }
0xab: {  	_ =	task [dreg:s7], $0x5FFFF  }
0xac: {  	[dreg:$0x1] =	wrdreg $0xFFFFFFFF  }
0xad: {  	[dreg:$0x0] =	wrdreg $0x60  }
0xae: {  	[dreg:$0x2] =	wrdreg s24  }
0xaf: {  	[dreg:$0x3] =	wrdreg s2  }
0xb0: {  	[dreg:$0x4] =	wrdreg $0x28800  }
0xb1: {  	[dreg:$0x5] =	wrdreg $0x9  }
0xb2: {  	_ =	task.clear_ibuf [dreg:s7], $0x6FFFF;
	_ =	strace $0x90000046  }
0xb3: {  	s29 =	simm.s32 $0x9;
	_ =	strace $0x80000048  }
0xb4: {  	_ =	swait.ge [sflag:s29], $0x1  }
0xb5: {  	[sflag:s29] =	ssyncadd.s32 $0xFFFFFFFF  }
0xb6: {  	_ =	strace $0x90000048  }
0xb7: {  	_ =	sfence  }
0xb8: {  	s30 =	sld [smem:$0x0];
	_ =	sdelay $0x2  }
0xb9: {  	s31 =	sshll.u32 s1, $0xD;
	s1 =	sshrl.u32 s1, $0x2  }
0xba: {  	s3 =	sand.u32 $0x4000, s31;
	s1 =	sadd.s32 s1, s30  }
0xbb: {  	s0 =	sor.u32 s3, s0;
	s1 =	sshll.u32 s1, $0x11  }
0xbc: {  	s0 =	sor.u32 s1, s0  }
0xbd: {  	s0 =	sadd.s32 $0x8F2B, s0  }
0xbe: {  	[sflag:s0] =	ssyncadd.remote.s32 $0x1  }
0xbf: {  	_ =	sfence.sel $0xFFFF  }
0xc0: {  	[dreg:$0x0] =	wrdreg $0xFFFFFFFF;
	(pc) =	sbr.abs _section_cstart, $3  }
0xc1: {  	[dreg:$0x1] =	wrdreg $0xFFFFFFFF  }
0xc2: {  	_ =	task.clear_ibuf [dreg:s7], $0x2FFFF;
	_ =	strace $0x9FFFFFFF  }
0xc3: {  	(tm) =	ssettm $0x7FFFFFFF  }
tec
execute0_lowered:
.L_overlay_start_1:
0x0: {  	(tag) =	ssettag $0x1  }
0x1: {  	s4 =	rddreg [dreg:$0x0];
	s1 =	srdreg.scid  }
0x2: {  	s0 =	stileid.u32;
	s10 =	rddreg [dreg:$0x1]  }
0x3: {  	s2 =	rddreg [dreg:$0x2];
	s3 =	simm.s32 $0x0;
	s14 =	simm.s32 $0x80  }
0x4: {  	s15 =	simm.s32 $0x1;
	s18 =	simm.s32 $0x0;
	s5 =	sand.u32 $0x1, s1  }
0x5: {  	s29 =	sshll.u32 s0, $0x1;
	s1 =	rddreg [dreg:$0x3];
	s7 =	smul.u32 $0x280, s0  }
0x6: {  	[smem:$0x7FF] =	sst s3;
	s6 =	sor.u32 s5, s29;
	s9 =	smul.u32 $0x2800, s5  }
0x7: {  	s16 =	sshll.u32 s0, $0x6;
	s8 =	ssub.s32 $0x2, s5;
	s6 =	smul.u32 $0x500, s6  }
0x8: {  	_ =	strace $0x80000047;
	s16 =	sor.u32 $0x1C02, s16;
	s30 =	sshrl.u32 s8, $0x1  }
0x9: {  	s31 =	sadd.s32 s7, s9;
	s11 =	sadd.s32 s6, s4;
	s4 =	sadd.s32 s7, s2  }
0xa: {  	s12 =	ssub.s32 s8, s30;
	s13 =	sshrl.u32 s31, $0x3;
	s5 =	sadd.s32 $0x80, s4  }
0xb: {  	s6 =	sadd.s32 $0x100, s4;
	s7 =	sadd.s32 $0x180, s4;
	s8 =	sadd.s32 $0x200, s4  }
0xc: {  	s9 =	sadd.s32 $0xC400, s11;
	s10 =	sadd.s32 s10, s13;
	s11 =	smax.u32 s12, $0x1  }
0xd: {  	v0 =	vimm.f32 $0.0e+00;
	v1 =	vimm.f32 $1.000000000e+00;
	s12 =	simm.s32 $0x2800;
	s13 =	simm.s32 $0x2;
	s17 =	sshrl.u32 s4, $0x3  }
.LBB2_1:
0xe: {  	[tilespmem:$0x2800] =	vst v0  }
0xf: {  	[tilespmem:$0x2810] =	vst v0  }
0x10: {  	[tilespmem:$0x2820] =	vst v0  }
0x11: {  	[tilespmem:$0x2830] =	vst v0  }
0x12: {  	[tilespmem:$0x2840] =	vst v0  }
0x13: {  	[tilespmem:$0x2850] =	vst v0  }
0x14: {  	[tilespmem:$0x2860] =	vst v0  }
0x15: {  	[tilespmem:$0x2870] =	vst v0  }
0x16: {  	[spmem:s4] =	stream.linear.scatter [tilespmem:s12], [sflag:$0x2], $0x80, $0x38;
	[tilespmem:$0x2B00] =	vst v63  }
0x17: {  	_ =	swait.ge [sflag:s13], $0x80  }
0x18: {  	[sflag:s13] =	ssyncset.done $0x0  }
0x19: {  	[sflag:s13] =	ssyncadd.s32 $0xFFFFFF80  }
0x1a: {  	[spmem:s5] =	stream.linear.scatter [tilespmem:s12], [sflag:$0x2], $0x80, $0x38;
	[tilespmem:$0x2B00] =	vst v63  }
0x1b: {  	_ =	swait.ge [sflag:s13], $0x80  }
0x1c: {  	[sflag:s13] =	ssyncset.done $0x0  }
0x1d: {  	[sflag:s13] =	ssyncadd.s32 $0xFFFFFF80  }
0x1e: {  	[spmem:s6] =	stream.linear.scatter [tilespmem:s12], [sflag:$0x2], $0x80, $0x38;
	[tilespmem:$0x2B00] =	vst v63  }
0x1f: {  	_ =	swait.ge [sflag:s13], $0x80  }
0x20: {  	[sflag:s13] =	ssyncset.done $0x0  }
0x21: {  	[sflag:s13] =	ssyncadd.s32 $0xFFFFFF80  }
0x22: {  	[spmem:s7] =	stream.linear.scatter [tilespmem:s12], [sflag:$0x2], $0x80, $0x38;
	[tilespmem:$0x2B00] =	vst v63  }
0x23: {  	_ =	swait.ge [sflag:s13], $0x80  }
0x24: {  	[sflag:s13] =	ssyncset.done $0x0  }
0x25: {  	[sflag:s13] =	ssyncadd.s32 $0xFFFFFF80  }
0x26: {  	[spmem:s8] =	stream.linear.scatter [tilespmem:s12], [sflag:$0x2], $0x80, $0x38;
	[tilespmem:$0x2B00] =	vst v63  }
0x27: {  	_ =	swait.ge [sflag:s13], $0x80  }
0x28: {  	[sflag:s13] =	ssyncset.done $0x0  }
0x29: {  	[sflag:s13] =	ssyncadd.s32 $0xFFFFFF80  }
0x2a: {  	[tilespmem:$0x2800] =	vst v1  }
0x2b: {  	[tilespmem:$0x2810] =	vst v1  }
0x2c: {  	[tilespmem:$0x2820] =	vst v1  }
0x2d: {  	[tilespmem:$0x2830] =	vst v1  }
0x2e: {  	[tilespmem:$0x2840] =	vst v1  }
0x2f: {  	[tilespmem:$0x2850] =	vst v1  }
0x30: {  	[tilespmem:$0x2860] =	vst v1  }
0x31: {  	[tilespmem:$0x2870] =	vst v1  }
0x32: {  	[tilespmem:s3], [sflag:$0x2] =	stream.linear.gather [hbm4b:s9+s3], $0x2800, $0x38;
	[tilespmem:$0x2B00] =	vst v63  }
0x33: {  	_ =	swait.ge [sflag:s13], $0x2800  }
0x34: {  	[sflag:s13] =	ssyncset.done $0x0  }
0x35: {  	[sflag:s13] =	ssyncadd.s32 $0xFFFFD800  }
0x36: {  	[bflag:$0x0] =	sbarrier.arrive $0xFFFF  }
0x37: {  	[spmem:s2] =	stream.indirect.scatter.add.f32 [tilespmem:s12], [sflag:$0x1], $0x1, s3, s14, $0xb8;
	[tilespmem:$0x2B00] =	vst v63  }
0x38: {  	s19 =	simm.s32 $0x80  }
0x39: {  	[spmem:s2] =	stream.indirect.scatter.add.f32 [tilespmem:s12], [sflag:$0x1], $0x1, s19, s14, $0xb8;
	[tilespmem:$0x2B00] =	vst v63  }
0x3a: {  	_ =	swait.ge [sflag:s15], $0x80  }
0x3b: {  	s19 =	simm.s32 $0x400;
	[sflag:s15] =	ssyncset.done $0x0  }
.LBB2_2:
0x3c: {  	s20 =	sshra.s32 s19, $0x2;
	[sflag:s15] =	ssyncadd.s32 $0xFFFFFF80;
	p0 =	sne.s32 s19, $0x9E00  }
0x3d: {  	[spmem:s2] =	stream.indirect.scatter.add.f32 [tilespmem:s12], [sflag:$0x1], $0x1, s20, s14, $0xb8;
	[tilespmem:$0x2B00] =	vst v63  }
.Ltmp0:
0x3e: {  	_ = 	snop;
	(pc) =	sbr.rel @p0 .LBB2_2-.Ltmp0, $4  }
0x3f: {  	_ = 	snop  }
0x40: {  	s19 =	sadd.s32 $0x200, s19  }
0x41: {  	_ =	swait.ge [sflag:s15], $0x80  }
0x42: {  	[sflag:s15] =	ssyncset.done $0x0  }
0x43: {  	[sflag:s15] =	ssyncadd.s32 $0xFFFFFF80  }
0x44: {  	_ =	swait.ge [sflag:s15], $0x80  }
0x45: {  	s18 =	sadd.s32 $0x1, s18;
	[sflag:s15] =	ssyncset.done $0x0  }
0x46: {  	p0 =	sne.s32 s18, s11;
	[sflag:s15] =	ssyncadd.s32 $0xFFFFFF80  }
.Ltmp1:
0x47: {  	[bflag:$0x0] =	sbarrier.arrive $0xFFFF;
	(pc) =	sbr.rel @p0 .LBB2_1-.Ltmp1, $4  }
0x48: {  	[hbm:s10], [sflag:s16] =	dma.local [spmem:s17], $0x50  }
0x49: {  	_ =	swait.ge [sflag:s13], $0x50  }
0x4a: {  	[sflag:s13] =	ssyncset.done $0x0  }
0x4b: {  	[sflag:s13] =	ssyncadd.s32 $0xFFFFFFB0  }
0x4c: {  	_ =	sfence.sel $0x180000  }
0x4d: {  	[bflag:$0x0] =	sbarrier.arrive $0xFFFF  }
0x4e: {  	p0 =	sne.s32 s0, $0x0;
	_ =	strace $0x90000047  }
0x4f: {  	s0 =	sadd.s32 @!p0 $0x100000, s1;
	[bflag:$0x2] =	sbarrier.arrive $0xFFFF  }
0x50: {  	[sflag:s0] =	ssyncadd.tile.s32 @!p0 $0x1;
	_ =	shalt  }
.Lfunc_end2:
_tile_overlayer_lowered:
.L_overlay_start_2:
0x51: {  	(tag) =	ssettag $0x2  }
0x52: {  	s0 =	rddreg [dreg:$0x0];
	s2 =	stileid.u32  }
0x53: {  	s1 =	rddreg [dreg:$0x1];
	p0 =	sne.s32 s2, $0x0  }
0x54: {  	s3 =	rddreg [dreg:$0x2];
	[bflag:$0x3] =	sbarrier.arrive $0xFFFF;
	s2 =	simm.s32 @!p0 $0x1C02  }
0x55: {  	[timem:s3], [sflag:s2] =	dma.local @!p0 [hbm:s0], s1  }
0x56: {  	s0 =	simm.s32 @!p0 $0x2  }
0x57: {  	_ =	swait.ge @!p0 [sflag:s0], s1  }
0x58: {  	s1 =	ssub.s32 @!p0 $0x0, s1;
	[sflag:s0] =	ssyncset.done @!p0 $0x0  }
0x59: {  	[sflag:s0] =	ssyncadd.s32 @!p0 s1  }
0x5a: {  	[bflag:$0x3] =	sbarrier.arrive $0xFFFF  }
0x5b: {  	_ =	shalt  }

</sc_bundles>
